<compile_context>
chip_gen: v7x
topology: tpu7x:2x2x1
jax: 0.10.2.dev20260603
libtpu: 0.0.44.dev20260713+nightly
codegen_flags: <defaults>
</compile_context>

<pallas_src>
import functools

import jax
import jax.numpy as jnp
from jax import lax
from jax.experimental import pallas as pl
from jax.experimental.pallas import tpu as pltpu
from jax.experimental.pallas import tpu_sc as plsc

_CH = 128
_NB = 5


@functools.lru_cache(maxsize=None)
def _build(batch, seq, vocab, d):
    info = plsc.get_sparse_core_info()
    nw = info.num_cores * info.num_subcores
    total = batch * seq
    rows_w = total // nw
    n_steps = rows_w // _CH
    assert total % nw == 0 and rows_w % _CH == 0 and rows_w % seq == 0
    assert n_steps % _NB == 0 and n_steps >= 2 * _NB

    mesh = plsc.VectorSubcoreMesh(core_axis_name="c", subcore_axis_name="s")

    @functools.partial(
        pl.kernel,
        out_type=jax.ShapeDtypeStruct((total, d), jnp.float32),
        mesh=mesh,
        scratch_types=(
            [pltpu.VMEM_SHARED((seq + _CH, d), jnp.float32)]
            + [pltpu.VMEM((_CH,), jnp.int32) for _ in range(_NB)]
            + [pltpu.VMEM((_CH, d), jnp.float32) for _ in range(_NB)]
            + [pltpu.SemaphoreType.DMA for _ in range(3 * _NB)]
        ),
    )
    def k(x_hbm, table_hbm, pe_hbm, out_hbm, pe_v, *rest):
        idx = rest[0:_NB]
        rows = rest[_NB:2 * _NB]
        gsem = rest[2 * _NB:3 * _NB]
        ssem = rest[3 * _NB:4 * _NB]
        psem = rest[4 * _NB:5 * _NB]
        wid = lax.axis_index("s") * info.num_cores + lax.axis_index("c")
        base_w = wid * rows_w

        @pl.when(lax.axis_index("s") == 0)
        def _fill_pe():
            pltpu.sync_copy(pe_hbm, pe_v.at[pl.ds(0, seq)])
            pltpu.sync_copy(pe_hbm.at[pl.ds(0, _CH)],
                            pe_v.at[pl.ds(seq, _CH)])

        plsc.subcore_barrier()

        def stage_idx(g, b):
            pltpu.sync_copy(x_hbm.at[pl.ds(base_w + g * _CH, _CH)], idx[b])

        def fire_prefill(g, b):
            pe_off = lax.rem(base_w + g * _CH, seq)
            pltpu.async_copy(pe_v.at[pl.ds(pe_off, _CH)], rows[b], psem[b])

        def wait_prefill(b):
            pltpu.make_async_copy(pe_v.at[pl.ds(0, _CH)], rows[b],
                                  psem[b]).wait()

        def fire_gather(b):
            pltpu.async_copy(table_hbm.at[idx[b]], rows[b], gsem[b],
                             add=True)

        def drain_gather(b):
            pltpu.make_async_copy(table_hbm.at[idx[b]], rows[b],
                                  gsem[b]).wait()

        def fire_scat(g, b):
            pltpu.async_copy(rows[b], out_hbm.at[pl.ds(base_w + g * _CH,
                                                       _CH)], ssem[b])

        def wait_scat(g, b):
            pltpu.make_async_copy(rows[b],
                                  out_hbm.at[pl.ds(base_w + g * _CH, _CH)],
                                  ssem[b]).wait()

        for g0 in range(_NB - 1):
            stage_idx(g0, g0)
            fire_prefill(g0, g0)
        for g0 in range(_NB - 2):
            wait_prefill(g0)
            fire_gather(g0)

        def step_body(gg, carry):
            for b in range(_NB):
                g = gg * _NB + b
                drain_gather(b)
                fire_scat(g, b)

                ba = (b + _NB - 1) % _NB

                @pl.when(g >= 1)
                def _ws():
                    wait_scat(g - 1, ba)

                @pl.when(g + _NB - 1 < n_steps)
                def _arm():
                    stage_idx(g + _NB - 1, ba)
                    fire_prefill(g + _NB - 1, ba)

                bl = (b + _NB - 2) % _NB

                @pl.when(g + _NB - 2 < n_steps)
                def _launch():
                    wait_prefill(bl)
                    fire_gather(bl)
            return carry

        lax.fori_loop(0, n_steps // _NB, step_body, 0)

        wait_scat(n_steps - 1, (n_steps - 1) % _NB)

    return k


def kernel(x, table, pe):
    batch, seq = x.shape
    vocab, d = table.shape
    x_flat = x.reshape(-1).astype(jnp.int32)
    pe2 = pe.reshape(pe.shape[-2], pe.shape[-1])[:seq].astype(jnp.float32)
    out = _build(batch, seq, vocab, d)(x_flat, table, pe2)
    return out.reshape(batch, seq, d)

# --- scband reference (transcript-rebuilt; emitter-appended) ---
"""Pipeline reference for scband-input-preprocessor-26929444946712 (READ-ONLY COPY).

The authoritative reference and input builder live on the scoring server;
editing this copy changes nothing except your own understanding.
"""

import jax, jax.numpy as jnp
import numpy as np

VOCAB = 100000
D_MODEL = 128
MAX_SEQ_LEN = 200
BATCH = 4096
SEQ_LEN = 200


def _make_pe(max_seq_len, d_model):
    position = np.arange(max_seq_len, dtype=np.float32)[:, None]
    div_term = np.exp(np.arange(0, d_model, 2, dtype=np.float32) * (-np.log(10000.0) / d_model))
    pe = np.zeros((max_seq_len, d_model), dtype=np.float32)
    pe[:, 0::2] = np.sin(position * div_term)
    pe[:, 1::2] = np.cos(position * div_term)
    return jnp.asarray(pe)[None, :, :]


def setup_inputs(seed: int = 0) -> dict:
    key = jax.random.key(seed)
    k1, k2 = jax.random.split(key)
    x = jax.random.randint(k1, (BATCH, SEQ_LEN), 0, VOCAB, dtype=jnp.int64 if jax.config.read('jax_enable_x64') else jnp.int32)
    table = jax.random.normal(k2, (VOCAB, D_MODEL), dtype=jnp.float32)
    pe = _make_pe(MAX_SEQ_LEN, D_MODEL)
    return {"x": x, "table": table, "pe": pe}


def reference(x, table, pe):
    seq_len = x.shape[1]
    embeddings = jnp.take(table, x, axis=0)
    position_encodings = pe[:, :seq_len, :]
    return embeddings + position_encodings

if __name__ == "__main__":
    import jax
    _d = setup_inputs()
    print(jax.jit(kernel)(*tuple(_d.values())))

</pallas_src>

<mosaic_0001>
#map = affine_map<(d0, d1) -> (0)>
#map1 = affine_map<(d0, d1) -> (0, 0)>
module attributes {stable_mosaic.version = 14 : i64} {
  func.func @k(%arg0: i32, %arg1: i32, %arg2: memref<819200xi32, #tpu.memory_space<hbm>>, %arg3: memref<100000x128xf32, #tpu.memory_space<hbm>>, %arg4: memref<200x128xf32, #tpu.memory_space<hbm>>, %arg5: memref<819200x128xf32, #tpu.memory_space<hbm>>, %arg6: memref<328x128xf32, #tpu.memory_space<vmem_shared>>, %arg7: memref<128xi32, #tpu.memory_space<vmem>>, %arg8: memref<128xi32, #tpu.memory_space<vmem>>, %arg9: memref<128xi32, #tpu.memory_space<vmem>>, %arg10: memref<128xi32, #tpu.memory_space<vmem>>, %arg11: memref<128xi32, #tpu.memory_space<vmem>>, %arg12: memref<128x128xf32, #tpu.memory_space<vmem>>, %arg13: memref<128x128xf32, #tpu.memory_space<vmem>>, %arg14: memref<128x128xf32, #tpu.memory_space<vmem>>, %arg15: memref<128x128xf32, #tpu.memory_space<vmem>>, %arg16: memref<128x128xf32, #tpu.memory_space<vmem>>, %arg17: memref<!tpu.dma_semaphore, #tpu.memory_space<semaphore_mem>>, %arg18: memref<!tpu.dma_semaphore, #tpu.memory_space<semaphore_mem>>, %arg19: memref<!tpu.dma_semaphore, #tpu.memory_space<semaphore_mem>>, %arg20: memref<!tpu.dma_semaphore, #tpu.memory_space<semaphore_mem>>, %arg21: memref<!tpu.dma_semaphore, #tpu.memory_space<semaphore_mem>>, %arg22: memref<!tpu.dma_semaphore, #tpu.memory_space<semaphore_mem>>, %arg23: memref<!tpu.dma_semaphore, #tpu.memory_space<semaphore_mem>>, %arg24: memref<!tpu.dma_semaphore, #tpu.memory_space<semaphore_mem>>, %arg25: memref<!tpu.dma_semaphore, #tpu.memory_space<semaphore_mem>>, %arg26: memref<!tpu.dma_semaphore, #tpu.memory_space<semaphore_mem>>, %arg27: memref<!tpu.dma_semaphore, #tpu.memory_space<semaphore_mem>>, %arg28: memref<!tpu.dma_semaphore, #tpu.memory_space<semaphore_mem>>, %arg29: memref<!tpu.dma_semaphore, #tpu.memory_space<semaphore_mem>>, %arg30: memref<!tpu.dma_semaphore, #tpu.memory_space<semaphore_mem>>, %arg31: memref<!tpu.dma_semaphore, #tpu.memory_space<semaphore_mem>>) attributes {dimension_semantics = [#tpu.dimension_semantics<core_parallel>, #tpu.dimension_semantics<subcore_parallel>], iteration_bounds = array<i64: 2, 16>, scalar_prefetch = 0 : i64, scratch_operands = 26 : i64, tpu.core_type = #tpu.core_type<sc_vector_subcore>, window_params = [{transform_indices = #map}, {transform_indices = #map1}, {transform_indices = #map1}, {transform_indices = #map1}]} {
    %mul3A = arith.constant 2 : i32
    %mul3A_0 = arith.muli %arg1, %mul3A : i32
    %add3A = arith.addi %mul3A_0, %arg0 : i32
    %mul3A_1 = arith.constant 25600 : i32
    %mul3A_2 = arith.muli %add3A, %mul3A_1 : i32
    %eq3A = arith.constant 0 : i32
    %eq3A_3 = arith.cmpi eq, %arg1, %eq3A : i32
    %convert_element_type3A = arith.extui %eq3A_3 : i1 to i32
    %cond3A = arith.constant 0 : i32
    %cond3A_4 = arith.cmpi ne, %convert_element_type3A, %cond3A : i32
    scf.if %cond3A_4 {
      "tpu.region"() ({
        %run_scoped3A = tpu.sem_alloc : memref<!tpu.dma_semaphore, #tpu.memory_space<semaphore_mem>>
        %dma_start3A_80 = arith.constant 0 : i32
        %dma_start3A_81 = arith.constant 0 : i32
        %dma_start3A_82 = tpu.memref_slice %arg6[%dma_start3A_80, %dma_start3A_81] : memref<328x128xf32, #tpu.memory_space<vmem_shared>> -> memref<200x128xf32, #tpu.memory_space<vmem_shared>>
        tpu.enqueue_dma source(%arg4 : memref<200x128xf32, #tpu.memory_space<hbm>>) target(%dma_start3A_82 : memref<200x128xf32, #tpu.memory_space<vmem_shared>>) target_semaphore(%run_scoped3A : memref<!tpu.dma_semaphore, #tpu.memory_space<semaphore_mem>>)
        %dma_wait3A_83 = arith.constant 0 : i32
        %dma_wait3A_84 = arith.constant 0 : i32
        %dma_wait3A_85 = tpu.memref_slice %arg6[%dma_wait3A_83, %dma_wait3A_84] : memref<328x128xf32, #tpu.memory_space<vmem_shared>> -> memref<200x128xf32, #tpu.memory_space<vmem_shared>>
        tpu.wait_dma2 semaphore(%run_scoped3A : memref<!tpu.dma_semaphore, #tpu.memory_space<semaphore_mem>>) src(%arg4 : memref<200x128xf32, #tpu.memory_space<hbm>>) dst(%dma_wait3A_85 : memref<200x128xf32, #tpu.memory_space<vmem_shared>>)
        tpu.yield
      }) : () -> ()
      "tpu.region"() ({
        %run_scoped3A = tpu.sem_alloc : memref<!tpu.dma_semaphore, #tpu.memory_space<semaphore_mem>>
        %dma_start3A_80 = arith.constant 200 : i32
        %dma_start3A_81 = arith.constant 0 : i32
        %dma_start3A_82 = tpu.memref_slice %arg6[%dma_start3A_80, %dma_start3A_81] : memref<328x128xf32, #tpu.memory_space<vmem_shared>> -> memref<128x128xf32, #tpu.memory_space<vmem_shared>>
        %dma_start3A_83 = arith.constant 0 : i32
        %dma_start3A_84 = arith.constant 0 : i32
        %dma_start3A_85 = tpu.memref_slice %arg4[%dma_start3A_83, %dma_start3A_84] : memref<200x128xf32, #tpu.memory_space<hbm>> -> memref<128x128xf32, #tpu.memory_space<hbm>>
        tpu.enqueue_dma source(%dma_start3A_85 : memref<128x128xf32, #tpu.memory_space<hbm>>) target(%dma_start3A_82 : memref<128x128xf32, #tpu.memory_space<vmem_shared>>) target_semaphore(%run_scoped3A : memref<!tpu.dma_semaphore, #tpu.memory_space<semaphore_mem>>)
        %dma_wait3A_86 = arith.constant 200 : i32
        %dma_wait3A_87 = arith.constant 0 : i32
        %dma_wait3A_88 = tpu.memref_slice %arg6[%dma_wait3A_86, %dma_wait3A_87] : memref<328x128xf32, #tpu.memory_space<vmem_shared>> -> memref<128x128xf32, #tpu.memory_space<vmem_shared>>
        %dma_wait3A_89 = arith.constant 0 : i32
        %dma_wait3A_90 = arith.constant 0 : i32
        %dma_wait3A_91 = tpu.memref_slice %arg4[%dma_wait3A_89, %dma_wait3A_90] : memref<200x128xf32, #tpu.memory_space<hbm>> -> memref<128x128xf32, #tpu.memory_space<hbm>>
        tpu.wait_dma2 semaphore(%run_scoped3A : memref<!tpu.dma_semaphore, #tpu.memory_space<semaphore_mem>>) src(%dma_wait3A_91 : memref<128x128xf32, #tpu.memory_space<hbm>>) dst(%dma_wait3A_88 : memref<128x128xf32, #tpu.memory_space<vmem_shared>>)
        tpu.yield
      }) : () -> ()
    } else {
    }
    %barrier3A = arith.constant 0 : index
    tpu.barrier barrier_id(%barrier3A)
    %add3A_5 = arith.constant 0 : i32
    %add3A_6 = arith.addi %mul3A_2, %add3A_5 : i32
    "tpu.region"() ({
      %run_scoped3A = tpu.sem_alloc : memref<!tpu.dma_semaphore, #tpu.memory_space<semaphore_mem>>
      %dma_start3A_80 = tpu.memref_slice %arg2[%add3A_6] : memref<819200xi32, #tpu.memory_space<hbm>> -> memref<128xi32, #tpu.memory_space<hbm>>
      %dma_start3A_81 = tpu.memref_slice %arg2[%add3A_6] : memref<819200xi32, #tpu.memory_space<hbm>> -> memref<128xi32, #tpu.memory_space<hbm>>
      tpu.enqueue_dma source(%dma_start3A_81 : memref<128xi32, #tpu.memory_space<hbm>>) target(%arg7 : memref<128xi32, #tpu.memory_space<vmem>>) target_semaphore(%run_scoped3A : memref<!tpu.dma_semaphore, #tpu.memory_space<semaphore_mem>>)
      %dma_wait3A_82 = tpu.memref_slice %arg2[%add3A_6] : memref<819200xi32, #tpu.memory_space<hbm>> -> memref<128xi32, #tpu.memory_space<hbm>>
      %dma_wait3A_83 = tpu.memref_slice %arg2[%add3A_6] : memref<819200xi32, #tpu.memory_space<hbm>> -> memref<128xi32, #tpu.memory_space<hbm>>
      tpu.wait_dma2 semaphore(%run_scoped3A : memref<!tpu.dma_semaphore, #tpu.memory_space<semaphore_mem>>) src(%dma_wait3A_83 : memref<128xi32, #tpu.memory_space<hbm>>) dst(%arg7 : memref<128xi32, #tpu.memory_space<vmem>>)
      tpu.yield
    }) : () -> ()
    %add3A_7 = arith.constant 0 : i32
    %add3A_8 = arith.addi %mul3A_2, %add3A_7 : i32
    %rem3A = arith.constant 200 : i32
    %rem3A_9 = arith.remsi %add3A_8, %rem3A : i32
    %dma_start3A = arith.constant 0 : i32
    %dma_start3A_10 = tpu.memref_slice %arg6[%rem3A_9, %dma_start3A] : memref<328x128xf32, #tpu.memory_space<vmem_shared>> -> memref<128x128xf32, #tpu.memory_space<vmem_shared>>
    %dma_start3A_11 = arith.constant 0 : i32
    %dma_start3A_12 = tpu.memref_slice %arg6[%rem3A_9, %dma_start3A_11] : memref<328x128xf32, #tpu.memory_space<vmem_shared>> -> memref<128x128xf32, #tpu.memory_space<vmem_shared>>
    tpu.enqueue_dma source(%dma_start3A_12 : memref<128x128xf32, #tpu.memory_space<vmem_shared>>) target(%arg12 : memref<128x128xf32, #tpu.memory_space<vmem>>) target_semaphore(%arg27 : memref<!tpu.dma_semaphore, #tpu.memory_space<semaphore_mem>>)
    %add3A_13 = arith.constant 128 : i32
    %add3A_14 = arith.addi %mul3A_2, %add3A_13 : i32
    "tpu.region"() ({
      %run_scoped3A = tpu.sem_alloc : memref<!tpu.dma_semaphore, #tpu.memory_space<semaphore_mem>>
      %dma_start3A_80 = tpu.memref_slice %arg2[%add3A_14] : memref<819200xi32, #tpu.memory_space<hbm>> -> memref<128xi32, #tpu.memory_space<hbm>>
      %dma_start3A_81 = tpu.memref_slice %arg2[%add3A_14] : memref<819200xi32, #tpu.memory_space<hbm>> -> memref<128xi32, #tpu.memory_space<hbm>>
      tpu.enqueue_dma source(%dma_start3A_81 : memref<128xi32, #tpu.memory_space<hbm>>) target(%arg8 : memref<128xi32, #tpu.memory_space<vmem>>) target_semaphore(%run_scoped3A : memref<!tpu.dma_semaphore, #tpu.memory_space<semaphore_mem>>)
      %dma_wait3A_82 = tpu.memref_slice %arg2[%add3A_14] : memref<819200xi32, #tpu.memory_space<hbm>> -> memref<128xi32, #tpu.memory_space<hbm>>
      %dma_wait3A_83 = tpu.memref_slice %arg2[%add3A_14] : memref<819200xi32, #tpu.memory_space<hbm>> -> memref<128xi32, #tpu.memory_space<hbm>>
      tpu.wait_dma2 semaphore(%run_scoped3A : memref<!tpu.dma_semaphore, #tpu.memory_space<semaphore_mem>>) src(%dma_wait3A_83 : memref<128xi32, #tpu.memory_space<hbm>>) dst(%arg8 : memref<128xi32, #tpu.memory_space<vmem>>)
      tpu.yield
    }) : () -> ()
    %add3A_15 = arith.constant 128 : i32
    %add3A_16 = arith.addi %mul3A_2, %add3A_15 : i32
    %rem3A_17 = arith.constant 200 : i32
    %rem3A_18 = arith.remsi %add3A_16, %rem3A_17 : i32
    %dma_start3A_19 = arith.constant 0 : i32
    %dma_start3A_20 = tpu.memref_slice %arg6[%rem3A_18, %dma_start3A_19] : memref<328x128xf32, #tpu.memory_space<vmem_shared>> -> memref<128x128xf32, #tpu.memory_space<vmem_shared>>
    %dma_start3A_21 = arith.constant 0 : i32
    %dma_start3A_22 = tpu.memref_slice %arg6[%rem3A_18, %dma_start3A_21] : memref<328x128xf32, #tpu.memory_space<vmem_shared>> -> memref<128x128xf32, #tpu.memory_space<vmem_shared>>
    tpu.enqueue_dma source(%dma_start3A_22 : memref<128x128xf32, #tpu.memory_space<vmem_shared>>) target(%arg13 : memref<128x128xf32, #tpu.memory_space<vmem>>) target_semaphore(%arg28 : memref<!tpu.dma_semaphore, #tpu.memory_space<semaphore_mem>>)
    %add3A_23 = arith.constant 256 : i32
    %add3A_24 = arith.addi %mul3A_2, %add3A_23 : i32
    "tpu.region"() ({
      %run_scoped3A = tpu.sem_alloc : memref<!tpu.dma_semaphore, #tpu.memory_space<semaphore_mem>>
      %dma_start3A_80 = tpu.memref_slice %arg2[%add3A_24] : memref<819200xi32, #tpu.memory_space<hbm>> -> memref<128xi32, #tpu.memory_space<hbm>>
      %dma_start3A_81 = tpu.memref_slice %arg2[%add3A_24] : memref<819200xi32, #tpu.memory_space<hbm>> -> memref<128xi32, #tpu.memory_space<hbm>>
      tpu.enqueue_dma source(%dma_start3A_81 : memref<128xi32, #tpu.memory_space<hbm>>) target(%arg9 : memref<128xi32, #tpu.memory_space<vmem>>) target_semaphore(%run_scoped3A : memref<!tpu.dma_semaphore, #tpu.memory_space<semaphore_mem>>)
      %dma_wait3A_82 = tpu.memref_slice %arg2[%add3A_24] : memref<819200xi32, #tpu.memory_space<hbm>> -> memref<128xi32, #tpu.memory_space<hbm>>
      %dma_wait3A_83 = tpu.memref_slice %arg2[%add3A_24] : memref<819200xi32, #tpu.memory_space<hbm>> -> memref<128xi32, #tpu.memory_space<hbm>>
      tpu.wait_dma2 semaphore(%run_scoped3A : memref<!tpu.dma_semaphore, #tpu.memory_space<semaphore_mem>>) src(%dma_wait3A_83 : memref<128xi32, #tpu.memory_space<hbm>>) dst(%arg9 : memref<128xi32, #tpu.memory_space<vmem>>)
      tpu.yield
    }) : () -> ()
    %add3A_25 = arith.constant 256 : i32
    %add3A_26 = arith.addi %mul3A_2, %add3A_25 : i32
    %rem3A_27 = arith.constant 200 : i32
    %rem3A_28 = arith.remsi %add3A_26, %rem3A_27 : i32
    %dma_start3A_29 = arith.constant 0 : i32
    %dma_start3A_30 = tpu.memref_slice %arg6[%rem3A_28, %dma_start3A_29] : memref<328x128xf32, #tpu.memory_space<vmem_shared>> -> memref<128x128xf32, #tpu.memory_space<vmem_shared>>
    %dma_start3A_31 = arith.constant 0 : i32
    %dma_start3A_32 = tpu.memref_slice %arg6[%rem3A_28, %dma_start3A_31] : memref<328x128xf32, #tpu.memory_space<vmem_shared>> -> memref<128x128xf32, #tpu.memory_space<vmem_shared>>
    tpu.enqueue_dma source(%dma_start3A_32 : memref<128x128xf32, #tpu.memory_space<vmem_shared>>) target(%arg14 : memref<128x128xf32, #tpu.memory_space<vmem>>) target_semaphore(%arg29 : memref<!tpu.dma_semaphore, #tpu.memory_space<semaphore_mem>>)
    %add3A_33 = arith.constant 384 : i32
    %add3A_34 = arith.addi %mul3A_2, %add3A_33 : i32
    "tpu.region"() ({
      %run_scoped3A = tpu.sem_alloc : memref<!tpu.dma_semaphore, #tpu.memory_space<semaphore_mem>>
      %dma_start3A_80 = tpu.memref_slice %arg2[%add3A_34] : memref<819200xi32, #tpu.memory_space<hbm>> -> memref<128xi32, #tpu.memory_space<hbm>>
      %dma_start3A_81 = tpu.memref_slice %arg2[%add3A_34] : memref<819200xi32, #tpu.memory_space<hbm>> -> memref<128xi32, #tpu.memory_space<hbm>>
      tpu.enqueue_dma source(%dma_start3A_81 : memref<128xi32, #tpu.memory_space<hbm>>) target(%arg10 : memref<128xi32, #tpu.memory_space<vmem>>) target_semaphore(%run_scoped3A : memref<!tpu.dma_semaphore, #tpu.memory_space<semaphore_mem>>)
      %dma_wait3A_82 = tpu.memref_slice %arg2[%add3A_34] : memref<819200xi32, #tpu.memory_space<hbm>> -> memref<128xi32, #tpu.memory_space<hbm>>
      %dma_wait3A_83 = tpu.memref_slice %arg2[%add3A_34] : memref<819200xi32, #tpu.memory_space<hbm>> -> memref<128xi32, #tpu.memory_space<hbm>>
      tpu.wait_dma2 semaphore(%run_scoped3A : memref<!tpu.dma_semaphore, #tpu.memory_space<semaphore_mem>>) src(%dma_wait3A_83 : memref<128xi32, #tpu.memory_space<hbm>>) dst(%arg10 : memref<128xi32, #tpu.memory_space<vmem>>)
      tpu.yield
    }) : () -> ()
    %add3A_35 = arith.constant 384 : i32
    %add3A_36 = arith.addi %mul3A_2, %add3A_35 : i32
    %rem3A_37 = arith.constant 200 : i32
    %rem3A_38 = arith.remsi %add3A_36, %rem3A_37 : i32
    %dma_start3A_39 = arith.constant 0 : i32
    %dma_start3A_40 = tpu.memref_slice %arg6[%rem3A_38, %dma_start3A_39] : memref<328x128xf32, #tpu.memory_space<vmem_shared>> -> memref<128x128xf32, #tpu.memory_space<vmem_shared>>
    %dma_start3A_41 = arith.constant 0 : i32
    %dma_start3A_42 = tpu.memref_slice %arg6[%rem3A_38, %dma_start3A_41] : memref<328x128xf32, #tpu.memory_space<vmem_shared>> -> memref<128x128xf32, #tpu.memory_space<vmem_shared>>
    tpu.enqueue_dma source(%dma_start3A_42 : memref<128x128xf32, #tpu.memory_space<vmem_shared>>) target(%arg15 : memref<128x128xf32, #tpu.memory_space<vmem>>) target_semaphore(%arg30 : memref<!tpu.dma_semaphore, #tpu.memory_space<semaphore_mem>>)
    %dma_wait3A = arith.constant 0 : i32
    %dma_wait3A_43 = arith.constant 0 : i32
    %dma_wait3A_44 = tpu.memref_slice %arg6[%dma_wait3A, %dma_wait3A_43] : memref<328x128xf32, #tpu.memory_space<vmem_shared>> -> memref<128x128xf32, #tpu.memory_space<vmem_shared>>
    %dma_wait3A_45 = arith.constant 0 : i32
    %dma_wait3A_46 = arith.constant 0 : i32
    %dma_wait3A_47 = tpu.memref_slice %arg6[%dma_wait3A_45, %dma_wait3A_46] : memref<328x128xf32, #tpu.memory_space<vmem_shared>> -> memref<128x128xf32, #tpu.memory_space<vmem_shared>>
    tpu.wait_dma2 semaphore(%arg27 : memref<!tpu.dma_semaphore, #tpu.memory_space<semaphore_mem>>) src(%dma_wait3A_47 : memref<128x128xf32, #tpu.memory_space<vmem_shared>>) dst(%arg12 : memref<128x128xf32, #tpu.memory_space<vmem>>)
    %dma_start3A_48 = arith.constant 0 : i32
    %dma_start3A_49 = arith.constant 0 : i32
    %dma_start3A_50 = tpu.memref_slice %arg3[%dma_start3A_48, %dma_start3A_49] : memref<100000x128xf32, #tpu.memory_space<hbm>> -> memref<100000x128xf32, #tpu.memory_space<hbm>>
    tpu.enqueue_indirect_dma source(%dma_start3A_50 : memref<100000x128xf32, #tpu.memory_space<hbm>>) target(%arg12 : memref<128x128xf32, #tpu.memory_space<vmem>>) offsets(%arg7 : memref<128xi32, #tpu.memory_space<vmem>>) semaphore(%arg17 : memref<!tpu.dma_semaphore, #tpu.memory_space<semaphore_mem>>) {add = true}
    %dma_wait3A_51 = arith.constant 0 : i32
    %dma_wait3A_52 = arith.constant 0 : i32
    %dma_wait3A_53 = tpu.memref_slice %arg6[%dma_wait3A_51, %dma_wait3A_52] : memref<328x128xf32, #tpu.memory_space<vmem_shared>> -> memref<128x128xf32, #tpu.memory_space<vmem_shared>>
    %dma_wait3A_54 = arith.constant 0 : i32
    %dma_wait3A_55 = arith.constant 0 : i32
    %dma_wait3A_56 = tpu.memref_slice %arg6[%dma_wait3A_54, %dma_wait3A_55] : memref<328x128xf32, #tpu.memory_space<vmem_shared>> -> memref<128x128xf32, #tpu.memory_space<vmem_shared>>
    tpu.wait_dma2 semaphore(%arg28 : memref<!tpu.dma_semaphore, #tpu.memory_space<semaphore_mem>>) src(%dma_wait3A_56 : memref<128x128xf32, #tpu.memory_space<vmem_shared>>) dst(%arg13 : memref<128x128xf32, #tpu.memory_space<vmem>>)
    %dma_start3A_57 = arith.constant 0 : i32
    %dma_start3A_58 = arith.constant 0 : i32
    %dma_start3A_59 = tpu.memref_slice %arg3[%dma_start3A_57, %dma_start3A_58] : memref<100000x128xf32, #tpu.memory_space<hbm>> -> memref<100000x128xf32, #tpu.memory_space<hbm>>
    tpu.enqueue_indirect_dma source(%dma_start3A_59 : memref<100000x128xf32, #tpu.memory_space<hbm>>) target(%arg13 : memref<128x128xf32, #tpu.memory_space<vmem>>) offsets(%arg8 : memref<128xi32, #tpu.memory_space<vmem>>) semaphore(%arg18 : memref<!tpu.dma_semaphore, #tpu.memory_space<semaphore_mem>>) {add = true}
    %dma_wait3A_60 = arith.constant 0 : i32
    %dma_wait3A_61 = arith.constant 0 : i32
    %dma_wait3A_62 = tpu.memref_slice %arg6[%dma_wait3A_60, %dma_wait3A_61] : memref<328x128xf32, #tpu.memory_space<vmem_shared>> -> memref<128x128xf32, #tpu.memory_space<vmem_shared>>
    %dma_wait3A_63 = arith.constant 0 : i32
    %dma_wait3A_64 = arith.constant 0 : i32
    %dma_wait3A_65 = tpu.memref_slice %arg6[%dma_wait3A_63, %dma_wait3A_64] : memref<328x128xf32, #tpu.memory_space<vmem_shared>> -> memref<128x128xf32, #tpu.memory_space<vmem_shared>>
    tpu.wait_dma2 semaphore(%arg29 : memref<!tpu.dma_semaphore, #tpu.memory_space<semaphore_mem>>) src(%dma_wait3A_65 : memref<128x128xf32, #tpu.memory_space<vmem_shared>>) dst(%arg14 : memref<128x128xf32, #tpu.memory_space<vmem>>)
    %dma_start3A_66 = arith.constant 0 : i32
    %dma_start3A_67 = arith.constant 0 : i32
    %dma_start3A_68 = tpu.memref_slice %arg3[%dma_start3A_66, %dma_start3A_67] : memref<100000x128xf32, #tpu.memory_space<hbm>> -> memref<100000x128xf32, #tpu.memory_space<hbm>>
    tpu.enqueue_indirect_dma source(%dma_start3A_68 : memref<100000x128xf32, #tpu.memory_space<hbm>>) target(%arg14 : memref<128x128xf32, #tpu.memory_space<vmem>>) offsets(%arg9 : memref<128xi32, #tpu.memory_space<vmem>>) semaphore(%arg19 : memref<!tpu.dma_semaphore, #tpu.memory_space<semaphore_mem>>) {add = true}
    %scan3A = arith.constant 0 : i32
    %scan3A_69 = arith.constant 0 : i32
    %scan3A_70 = arith.constant 40 : i32
    %scan3A_71 = arith.addi %scan3A_69, %scan3A_70 : i32
    %scan3A_72 = arith.constant 1 : i32
    scf.for %scan3A_80 = %scan3A_69 to %scan3A_71 step %scan3A_72  : i32 {
      %mul3A_81 = arith.constant 5 : i32
      %mul3A_82 = arith.muli %scan3A_80, %mul3A_81 : i32
      %add3A_83 = arith.constant 0 : i32
      %add3A_84 = arith.addi %mul3A_82, %add3A_83 : i32
      %dma_wait3A_85 = arith.constant 0 : i32
      %dma_wait3A_86 = arith.constant 0 : i32
      %dma_wait3A_87 = tpu.memref_slice %arg3[%dma_wait3A_85, %dma_wait3A_86] : memref<100000x128xf32, #tpu.memory_space<hbm>> -> memref<100000x128xf32, #tpu.memory_space<hbm>>
      tpu.wait_indirect_dma semaphore(%arg17 : memref<!tpu.dma_semaphore, #tpu.memory_space<semaphore_mem>>) src(%dma_wait3A_87 : memref<100000x128xf32, #tpu.memory_space<hbm>>) dst(%arg12 : memref<128x128xf32, #tpu.memory_space<vmem>>)
      %mul3A_88 = arith.constant 128 : i32
      %mul3A_89 = arith.muli %add3A_84, %mul3A_88 : i32
      %add3A_90 = arith.addi %mul3A_2, %mul3A_89 : i32
      %dma_start3A_91 = arith.constant 0 : i32
      %dma_start3A_92 = tpu.memref_slice %arg5[%add3A_90, %dma_start3A_91] : memref<819200x128xf32, #tpu.memory_space<hbm>> -> memref<128x128xf32, #tpu.memory_space<hbm>>
      %dma_start3A_93 = arith.constant 0 : i32
      %dma_start3A_94 = tpu.memref_slice %arg5[%add3A_90, %dma_start3A_93] : memref<819200x128xf32, #tpu.memory_space<hbm>> -> memref<128x128xf32, #tpu.memory_space<hbm>>
      tpu.enqueue_dma source(%arg12 : memref<128x128xf32, #tpu.memory_space<vmem>>) target(%dma_start3A_94 : memref<128x128xf32, #tpu.memory_space<hbm>>) target_semaphore(%arg22 : memref<!tpu.dma_semaphore, #tpu.memory_space<semaphore_mem>>)
      %ge3A = arith.constant 1 : i32
      %ge3A_95 = arith.cmpi sge, %add3A_84, %ge3A : i32
      %convert_element_type3A_96 = arith.extui %ge3A_95 : i1 to i32
      %cond3A_97 = arith.constant 0 : i32
      %cond3A_98 = arith.cmpi ne, %convert_element_type3A_96, %cond3A_97 : i32
      scf.if %cond3A_98 {
        %sub3A_263 = arith.constant 1 : i32
        %sub3A_264 = arith.subi %add3A_84, %sub3A_263 : i32
        %mul3A_265 = arith.constant 128 : i32
        %mul3A_266 = arith.muli %sub3A_264, %mul3A_265 : i32
        %add3A_267 = arith.addi %mul3A_2, %mul3A_266 : i32
        %dma_wait3A_268 = arith.constant 0 : i32
        %dma_wait3A_269 = tpu.memref_slice %arg5[%add3A_267, %dma_wait3A_268] : memref<819200x128xf32, #tpu.memory_space<hbm>> -> memref<128x128xf32, #tpu.memory_space<hbm>>
        %dma_wait3A_270 = arith.constant 0 : i32
        %dma_wait3A_271 = tpu.memref_slice %arg5[%add3A_267, %dma_wait3A_270] : memref<819200x128xf32, #tpu.memory_space<hbm>> -> memref<128x128xf32, #tpu.memory_space<hbm>>
        tpu.wait_dma2 semaphore(%arg26 : memref<!tpu.dma_semaphore, #tpu.memory_space<semaphore_mem>>) src(%arg16 : memref<128x128xf32, #tpu.memory_space<vmem>>) dst(%dma_wait3A_271 : memref<128x128xf32, #tpu.memory_space<hbm>>)
      } else {
      }
      %add3A_99 = arith.constant 5 : i32
      %add3A_100 = arith.addi %add3A_84, %add3A_99 : i32
      %sub3A = arith.constant 1 : i32
      %sub3A_101 = arith.subi %add3A_100, %sub3A : i32
      %lt3A = arith.constant 200 : i32
      %lt3A_102 = arith.cmpi slt, %sub3A_101, %lt3A : i32
      %convert_element_type3A_103 = arith.extui %lt3A_102 : i1 to i32
      %cond3A_104 = arith.constant 0 : i32
      %cond3A_105 = arith.cmpi ne, %convert_element_type3A_103, %cond3A_104 : i32
      scf.if %cond3A_105 {
        %add3A_263 = arith.constant 5 : i32
        %add3A_264 = arith.addi %add3A_84, %add3A_263 : i32
        %sub3A_265 = arith.constant 1 : i32
        %sub3A_266 = arith.subi %add3A_264, %sub3A_265 : i32
        %mul3A_267 = arith.constant 128 : i32
        %mul3A_268 = arith.muli %sub3A_266, %mul3A_267 : i32
        %add3A_269 = arith.addi %mul3A_2, %mul3A_268 : i32
        "tpu.region"() ({
          %run_scoped3A = tpu.sem_alloc : memref<!tpu.dma_semaphore, #tpu.memory_space<semaphore_mem>>
          %dma_start3A_283 = tpu.memref_slice %arg2[%add3A_269] : memref<819200xi32, #tpu.memory_space<hbm>> -> memref<128xi32, #tpu.memory_space<hbm>>
          %dma_start3A_284 = tpu.memref_slice %arg2[%add3A_269] : memref<819200xi32, #tpu.memory_space<hbm>> -> memref<128xi32, #tpu.memory_space<hbm>>
          tpu.enqueue_dma source(%dma_start3A_284 : memref<128xi32, #tpu.memory_space<hbm>>) target(%arg11 : memref<128xi32, #tpu.memory_space<vmem>>) target_semaphore(%run_scoped3A : memref<!tpu.dma_semaphore, #tpu.memory_space<semaphore_mem>>)
          %dma_wait3A_285 = tpu.memref_slice %arg2[%add3A_269] : memref<819200xi32, #tpu.memory_space<hbm>> -> memref<128xi32, #tpu.memory_space<hbm>>
          %dma_wait3A_286 = tpu.memref_slice %arg2[%add3A_269] : memref<819200xi32, #tpu.memory_space<hbm>> -> memref<128xi32, #tpu.memory_space<hbm>>
          tpu.wait_dma2 semaphore(%run_scoped3A : memref<!tpu.dma_semaphore, #tpu.memory_space<semaphore_mem>>) src(%dma_wait3A_286 : memref<128xi32, #tpu.memory_space<hbm>>) dst(%arg11 : memref<128xi32, #tpu.memory_space<vmem>>)
          tpu.yield
        }) : () -> ()
        %add3A_270 = arith.constant 5 : i32
        %add3A_271 = arith.addi %add3A_84, %add3A_270 : i32
        %sub3A_272 = arith.constant 1 : i32
        %sub3A_273 = arith.subi %add3A_271, %sub3A_272 : i32
        %mul3A_274 = arith.constant 128 : i32
        %mul3A_275 = arith.muli %sub3A_273, %mul3A_274 : i32
        %add3A_276 = arith.addi %mul3A_2, %mul3A_275 : i32
        %rem3A_277 = arith.constant 200 : i32
        %rem3A_278 = arith.remsi %add3A_276, %rem3A_277 : i32
        %dma_start3A_279 = arith.constant 0 : i32
        %dma_start3A_280 = tpu.memref_slice %arg6[%rem3A_278, %dma_start3A_279] : memref<328x128xf32, #tpu.memory_space<vmem_shared>> -> memref<128x128xf32, #tpu.memory_space<vmem_shared>>
        %dma_start3A_281 = arith.constant 0 : i32
        %dma_start3A_282 = tpu.memref_slice %arg6[%rem3A_278, %dma_start3A_281] : memref<328x128xf32, #tpu.memory_space<vmem_shared>> -> memref<128x128xf32, #tpu.memory_space<vmem_shared>>
        tpu.enqueue_dma source(%dma_start3A_282 : memref<128x128xf32, #tpu.memory_space<vmem_shared>>) target(%arg16 : memref<128x128xf32, #tpu.memory_space<vmem>>) target_semaphore(%arg31 : memref<!tpu.dma_semaphore, #tpu.memory_space<semaphore_mem>>)
      } else {
      }
      %add3A_106 = arith.constant 5 : i32
      %add3A_107 = arith.addi %add3A_84, %add3A_106 : i32
      %sub3A_108 = arith.constant 2 : i32
      %sub3A_109 = arith.subi %add3A_107, %sub3A_108 : i32
      %lt3A_110 = arith.constant 200 : i32
      %lt3A_111 = arith.cmpi slt, %sub3A_109, %lt3A_110 : i32
      %convert_element_type3A_112 = arith.extui %lt3A_111 : i1 to i32
      %cond3A_113 = arith.constant 0 : i32
      %cond3A_114 = arith.cmpi ne, %convert_element_type3A_112, %cond3A_113 : i32
      scf.if %cond3A_114 {
        %dma_wait3A_263 = arith.constant 0 : i32
        %dma_wait3A_264 = arith.constant 0 : i32
        %dma_wait3A_265 = tpu.memref_slice %arg6[%dma_wait3A_263, %dma_wait3A_264] : memref<328x128xf32, #tpu.memory_space<vmem_shared>> -> memref<128x128xf32, #tpu.memory_space<vmem_shared>>
        %dma_wait3A_266 = arith.constant 0 : i32
        %dma_wait3A_267 = arith.constant 0 : i32
        %dma_wait3A_268 = tpu.memref_slice %arg6[%dma_wait3A_266, %dma_wait3A_267] : memref<328x128xf32, #tpu.memory_space<vmem_shared>> -> memref<128x128xf32, #tpu.memory_space<vmem_shared>>
        tpu.wait_dma2 semaphore(%arg30 : memref<!tpu.dma_semaphore, #tpu.memory_space<semaphore_mem>>) src(%dma_wait3A_268 : memref<128x128xf32, #tpu.memory_space<vmem_shared>>) dst(%arg15 : memref<128x128xf32, #tpu.memory_space<vmem>>)
        %dma_start3A_269 = arith.constant 0 : i32
        %dma_start3A_270 = arith.constant 0 : i32
        %dma_start3A_271 = tpu.memref_slice %arg3[%dma_start3A_269, %dma_start3A_270] : memref<100000x128xf32, #tpu.memory_space<hbm>> -> memref<100000x128xf32, #tpu.memory_space<hbm>>
        tpu.enqueue_indirect_dma source(%dma_start3A_271 : memref<100000x128xf32, #tpu.memory_space<hbm>>) target(%arg15 : memref<128x128xf32, #tpu.memory_space<vmem>>) offsets(%arg10 : memref<128xi32, #tpu.memory_space<vmem>>) semaphore(%arg20 : memref<!tpu.dma_semaphore, #tpu.memory_space<semaphore_mem>>) {add = true}
      } else {
      }
      %mul3A_115 = arith.constant 5 : i32
      %mul3A_116 = arith.muli %scan3A_80, %mul3A_115 : i32
      %add3A_117 = arith.constant 1 : i32
      %add3A_118 = arith.addi %mul3A_116, %add3A_117 : i32
      %dma_wait3A_119 = arith.constant 0 : i32
      %dma_wait3A_120 = arith.constant 0 : i32
      %dma_wait3A_121 = tpu.memref_slice %arg3[%dma_wait3A_119, %dma_wait3A_120] : memref<100000x128xf32, #tpu.memory_space<hbm>> -> memref<100000x128xf32, #tpu.memory_space<hbm>>
      tpu.wait_indirect_dma semaphore(%arg18 : memref<!tpu.dma_semaphore, #tpu.memory_space<semaphore_mem>>) src(%dma_wait3A_121 : memref<100000x128xf32, #tpu.memory_space<hbm>>) dst(%arg13 : memref<128x128xf32, #tpu.memory_space<vmem>>)
      %mul3A_122 = arith.constant 128 : i32
      %mul3A_123 = arith.muli %add3A_118, %mul3A_122 : i32
      %add3A_124 = arith.addi %mul3A_2, %mul3A_123 : i32
      %dma_start3A_125 = arith.constant 0 : i32
      %dma_start3A_126 = tpu.memref_slice %arg5[%add3A_124, %dma_start3A_125] : memref<819200x128xf32, #tpu.memory_space<hbm>> -> memref<128x128xf32, #tpu.memory_space<hbm>>
      %dma_start3A_127 = arith.constant 0 : i32
      %dma_start3A_128 = tpu.memref_slice %arg5[%add3A_124, %dma_start3A_127] : memref<819200x128xf32, #tpu.memory_space<hbm>> -> memref<128x128xf32, #tpu.memory_space<hbm>>
      tpu.enqueue_dma source(%arg13 : memref<128x128xf32, #tpu.memory_space<vmem>>) target(%dma_start3A_128 : memref<128x128xf32, #tpu.memory_space<hbm>>) target_semaphore(%arg23 : memref<!tpu.dma_semaphore, #tpu.memory_space<semaphore_mem>>)
      %ge3A_129 = arith.constant 1 : i32
      %ge3A_130 = arith.cmpi sge, %add3A_118, %ge3A_129 : i32
      %convert_element_type3A_131 = arith.extui %ge3A_130 : i1 to i32
      %cond3A_132 = arith.constant 0 : i32
      %cond3A_133 = arith.cmpi ne, %convert_element_type3A_131, %cond3A_132 : i32
      scf.if %cond3A_133 {
        %sub3A_263 = arith.constant 1 : i32
        %sub3A_264 = arith.subi %add3A_118, %sub3A_263 : i32
        %mul3A_265 = arith.constant 128 : i32
        %mul3A_266 = arith.muli %sub3A_264, %mul3A_265 : i32
        %add3A_267 = arith.addi %mul3A_2, %mul3A_266 : i32
        %dma_wait3A_268 = arith.constant 0 : i32
        %dma_wait3A_269 = tpu.memref_slice %arg5[%add3A_267, %dma_wait3A_268] : memref<819200x128xf32, #tpu.memory_space<hbm>> -> memref<128x128xf32, #tpu.memory_space<hbm>>
        %dma_wait3A_270 = arith.constant 0 : i32
        %dma_wait3A_271 = tpu.memref_slice %arg5[%add3A_267, %dma_wait3A_270] : memref<819200x128xf32, #tpu.memory_space<hbm>> -> memref<128x128xf32, #tpu.memory_space<hbm>>
        tpu.wait_dma2 semaphore(%arg22 : memref<!tpu.dma_semaphore, #tpu.memory_space<semaphore_mem>>) src(%arg12 : memref<128x128xf32, #tpu.memory_space<vmem>>) dst(%dma_wait3A_271 : memref<128x128xf32, #tpu.memory_space<hbm>>)
      } else {
      }
      %add3A_134 = arith.constant 5 : i32
      %add3A_135 = arith.addi %add3A_118, %add3A_134 : i32
      %sub3A_136 = arith.constant 1 : i32
      %sub3A_137 = arith.subi %add3A_135, %sub3A_136 : i32
      %lt3A_138 = arith.constant 200 : i32
      %lt3A_139 = arith.cmpi slt, %sub3A_137, %lt3A_138 : i32
      %convert_element_type3A_140 = arith.extui %lt3A_139 : i1 to i32
      %cond3A_141 = arith.constant 0 : i32
      %cond3A_142 = arith.cmpi ne, %convert_element_type3A_140, %cond3A_141 : i32
      scf.if %cond3A_142 {
        %add3A_263 = arith.constant 5 : i32
        %add3A_264 = arith.addi %add3A_118, %add3A_263 : i32
        %sub3A_265 = arith.constant 1 : i32
        %sub3A_266 = arith.subi %add3A_264, %sub3A_265 : i32
        %mul3A_267 = arith.constant 128 : i32
        %mul3A_268 = arith.muli %sub3A_266, %mul3A_267 : i32
        %add3A_269 = arith.addi %mul3A_2, %mul3A_268 : i32
        "tpu.region"() ({
          %run_scoped3A = tpu.sem_alloc : memref<!tpu.dma_semaphore, #tpu.memory_space<semaphore_mem>>
          %dma_start3A_283 = tpu.memref_slice %arg2[%add3A_269] : memref<819200xi32, #tpu.memory_space<hbm>> -> memref<128xi32, #tpu.memory_space<hbm>>
          %dma_start3A_284 = tpu.memref_slice %arg2[%add3A_269] : memref<819200xi32, #tpu.memory_space<hbm>> -> memref<128xi32, #tpu.memory_space<hbm>>
          tpu.enqueue_dma source(%dma_start3A_284 : memref<128xi32, #tpu.memory_space<hbm>>) target(%arg7 : memref<128xi32, #tpu.memory_space<vmem>>) target_semaphore(%run_scoped3A : memref<!tpu.dma_semaphore, #tpu.memory_space<semaphore_mem>>)
          %dma_wait3A_285 = tpu.memref_slice %arg2[%add3A_269] : memref<819200xi32, #tpu.memory_space<hbm>> -> memref<128xi32, #tpu.memory_space<hbm>>
          %dma_wait3A_286 = tpu.memref_slice %arg2[%add3A_269] : memref<819200xi32, #tpu.memory_space<hbm>> -> memref<128xi32, #tpu.memory_space<hbm>>
          tpu.wait_dma2 semaphore(%run_scoped3A : memref<!tpu.dma_semaphore, #tpu.memory_space<semaphore_mem>>) src(%dma_wait3A_286 : memref<128xi32, #tpu.memory_space<hbm>>) dst(%arg7 : memref<128xi32, #tpu.memory_space<vmem>>)
          tpu.yield
        }) : () -> ()
        %add3A_270 = arith.constant 5 : i32
        %add3A_271 = arith.addi %add3A_118, %add3A_270 : i32
        %sub3A_272 = arith.constant 1 : i32
        %sub3A_273 = arith.subi %add3A_271, %sub3A_272 : i32
        %mul3A_274 = arith.constant 128 : i32
        %mul3A_275 = arith.muli %sub3A_273, %mul3A_274 : i32
        %add3A_276 = arith.addi %mul3A_2, %mul3A_275 : i32
        %rem3A_277 = arith.constant 200 : i32
        %rem3A_278 = arith.remsi %add3A_276, %rem3A_277 : i32
        %dma_start3A_279 = arith.constant 0 : i32
        %dma_start3A_280 = tpu.memref_slice %arg6[%rem3A_278, %dma_start3A_279] : memref<328x128xf32, #tpu.memory_space<vmem_shared>> -> memref<128x128xf32, #tpu.memory_space<vmem_shared>>
        %dma_start3A_281 = arith.constant 0 : i32
        %dma_start3A_282 = tpu.memref_slice %arg6[%rem3A_278, %dma_start3A_281] : memref<328x128xf32, #tpu.memory_space<vmem_shared>> -> memref<128x128xf32, #tpu.memory_space<vmem_shared>>
        tpu.enqueue_dma source(%dma_start3A_282 : memref<128x128xf32, #tpu.memory_space<vmem_shared>>) target(%arg12 : memref<128x128xf32, #tpu.memory_space<vmem>>) target_semaphore(%arg27 : memref<!tpu.dma_semaphore, #tpu.memory_space<semaphore_mem>>)
      } else {
      }
      %add3A_143 = arith.constant 5 : i32
      %add3A_144 = arith.addi %add3A_118, %add3A_143 : i32
      %sub3A_145 = arith.constant 2 : i32
      %sub3A_146 = arith.subi %add3A_144, %sub3A_145 : i32
      %lt3A_147 = arith.constant 200 : i32
      %lt3A_148 = arith.cmpi slt, %sub3A_146, %lt3A_147 : i32
      %convert_element_type3A_149 = arith.extui %lt3A_148 : i1 to i32
      %cond3A_150 = arith.constant 0 : i32
      %cond3A_151 = arith.cmpi ne, %convert_element_type3A_149, %cond3A_150 : i32
      scf.if %cond3A_151 {
        %dma_wait3A_263 = arith.constant 0 : i32
        %dma_wait3A_264 = arith.constant 0 : i32
        %dma_wait3A_265 = tpu.memref_slice %arg6[%dma_wait3A_263, %dma_wait3A_264] : memref<328x128xf32, #tpu.memory_space<vmem_shared>> -> memref<128x128xf32, #tpu.memory_space<vmem_shared>>
        %dma_wait3A_266 = arith.constant 0 : i32
        %dma_wait3A_267 = arith.constant 0 : i32
        %dma_wait3A_268 = tpu.memref_slice %arg6[%dma_wait3A_266, %dma_wait3A_267] : memref<328x128xf32, #tpu.memory_space<vmem_shared>> -> memref<128x128xf32, #tpu.memory_space<vmem_shared>>
        tpu.wait_dma2 semaphore(%arg31 : memref<!tpu.dma_semaphore, #tpu.memory_space<semaphore_mem>>) src(%dma_wait3A_268 : memref<128x128xf32, #tpu.memory_space<vmem_shared>>) dst(%arg16 : memref<128x128xf32, #tpu.memory_space<vmem>>)
        %dma_start3A_269 = arith.constant 0 : i32
        %dma_start3A_270 = arith.constant 0 : i32
        %dma_start3A_271 = tpu.memref_slice %arg3[%dma_start3A_269, %dma_start3A_270] : memref<100000x128xf32, #tpu.memory_space<hbm>> -> memref<100000x128xf32, #tpu.memory_space<hbm>>
        tpu.enqueue_indirect_dma source(%dma_start3A_271 : memref<100000x128xf32, #tpu.memory_space<hbm>>) target(%arg16 : memref<128x128xf32, #tpu.memory_space<vmem>>) offsets(%arg11 : memref<128xi32, #tpu.memory_space<vmem>>) semaphore(%arg21 : memref<!tpu.dma_semaphore, #tpu.memory_space<semaphore_mem>>) {add = true}
      } else {
      }
      %mul3A_152 = arith.constant 5 : i32
      %mul3A_153 = arith.muli %scan3A_80, %mul3A_152 : i32
      %add3A_154 = arith.constant 2 : i32
      %add3A_155 = arith.addi %mul3A_153, %add3A_154 : i32
      %dma_wait3A_156 = arith.constant 0 : i32
      %dma_wait3A_157 = arith.constant 0 : i32
      %dma_wait3A_158 = tpu.memref_slice %arg3[%dma_wait3A_156, %dma_wait3A_157] : memref<100000x128xf32, #tpu.memory_space<hbm>> -> memref<100000x128xf32, #tpu.memory_space<hbm>>
      tpu.wait_indirect_dma semaphore(%arg19 : memref<!tpu.dma_semaphore, #tpu.memory_space<semaphore_mem>>) src(%dma_wait3A_158 : memref<100000x128xf32, #tpu.memory_space<hbm>>) dst(%arg14 : memref<128x128xf32, #tpu.memory_space<vmem>>)
      %mul3A_159 = arith.constant 128 : i32
      %mul3A_160 = arith.muli %add3A_155, %mul3A_159 : i32
      %add3A_161 = arith.addi %mul3A_2, %mul3A_160 : i32
      %dma_start3A_162 = arith.constant 0 : i32
      %dma_start3A_163 = tpu.memref_slice %arg5[%add3A_161, %dma_start3A_162] : memref<819200x128xf32, #tpu.memory_space<hbm>> -> memref<128x128xf32, #tpu.memory_space<hbm>>
      %dma_start3A_164 = arith.constant 0 : i32
      %dma_start3A_165 = tpu.memref_slice %arg5[%add3A_161, %dma_start3A_164] : memref<819200x128xf32, #tpu.memory_space<hbm>> -> memref<128x128xf32, #tpu.memory_space<hbm>>
      tpu.enqueue_dma source(%arg14 : memref<128x128xf32, #tpu.memory_space<vmem>>) target(%dma_start3A_165 : memref<128x128xf32, #tpu.memory_space<hbm>>) target_semaphore(%arg24 : memref<!tpu.dma_semaphore, #tpu.memory_space<semaphore_mem>>)
      %ge3A_166 = arith.constant 1 : i32
      %ge3A_167 = arith.cmpi sge, %add3A_155, %ge3A_166 : i32
      %convert_element_type3A_168 = arith.extui %ge3A_167 : i1 to i32
      %cond3A_169 = arith.constant 0 : i32
      %cond3A_170 = arith.cmpi ne, %convert_element_type3A_168, %cond3A_169 : i32
      scf.if %cond3A_170 {
        %sub3A_263 = arith.constant 1 : i32
        %sub3A_264 = arith.subi %add3A_155, %sub3A_263 : i32
        %mul3A_265 = arith.constant 128 : i32
        %mul3A_266 = arith.muli %sub3A_264, %mul3A_265 : i32
        %add3A_267 = arith.addi %mul3A_2, %mul3A_266 : i32
        %dma_wait3A_268 = arith.constant 0 : i32
        %dma_wait3A_269 = tpu.memref_slice %arg5[%add3A_267, %dma_wait3A_268] : memref<819200x128xf32, #tpu.memory_space<hbm>> -> memref<128x128xf32, #tpu.memory_space<hbm>>
        %dma_wait3A_270 = arith.constant 0 : i32
        %dma_wait3A_271 = tpu.memref_slice %arg5[%add3A_267, %dma_wait3A_270] : memref<819200x128xf32, #tpu.memory_space<hbm>> -> memref<128x128xf32, #tpu.memory_space<hbm>>
        tpu.wait_dma2 semaphore(%arg23 : memref<!tpu.dma_semaphore, #tpu.memory_space<semaphore_mem>>) src(%arg13 : memref<128x128xf32, #tpu.memory_space<vmem>>) dst(%dma_wait3A_271 : memref<128x128xf32, #tpu.memory_space<hbm>>)
      } else {
      }
      %add3A_171 = arith.constant 5 : i32
      %add3A_172 = arith.addi %add3A_155, %add3A_171 : i32
      %sub3A_173 = arith.constant 1 : i32
      %sub3A_174 = arith.subi %add3A_172, %sub3A_173 : i32
      %lt3A_175 = arith.constant 200 : i32
      %lt3A_176 = arith.cmpi slt, %sub3A_174, %lt3A_175 : i32
      %convert_element_type3A_177 = arith.extui %lt3A_176 : i1 to i32
      %cond3A_178 = arith.constant 0 : i32
      %cond3A_179 = arith.cmpi ne, %convert_element_type3A_177, %cond3A_178 : i32
      scf.if %cond3A_179 {
        %add3A_263 = arith.constant 5 : i32
        %add3A_264 = arith.addi %add3A_155, %add3A_263 : i32
        %sub3A_265 = arith.constant 1 : i32
        %sub3A_266 = arith.subi %add3A_264, %sub3A_265 : i32
        %mul3A_267 = arith.constant 128 : i32
        %mul3A_268 = arith.muli %sub3A_266, %mul3A_267 : i32
        %add3A_269 = arith.addi %mul3A_2, %mul3A_268 : i32
        "tpu.region"() ({
          %run_scoped3A = tpu.sem_alloc : memref<!tpu.dma_semaphore, #tpu.memory_space<semaphore_mem>>
          %dma_start3A_283 = tpu.memref_slice %arg2[%add3A_269] : memref<819200xi32, #tpu.memory_space<hbm>> -> memref<128xi32, #tpu.memory_space<hbm>>
          %dma_start3A_284 = tpu.memref_slice %arg2[%add3A_269] : memref<819200xi32, #tpu.memory_space<hbm>> -> memref<128xi32, #tpu.memory_space<hbm>>
          tpu.enqueue_dma source(%dma_start3A_284 : memref<128xi32, #tpu.memory_space<hbm>>) target(%arg8 : memref<128xi32, #tpu.memory_space<vmem>>) target_semaphore(%run_scoped3A : memref<!tpu.dma_semaphore, #tpu.memory_space<semaphore_mem>>)
          %dma_wait3A_285 = tpu.memref_slice %arg2[%add3A_269] : memref<819200xi32, #tpu.memory_space<hbm>> -> memref<128xi32, #tpu.memory_space<hbm>>
          %dma_wait3A_286 = tpu.memref_slice %arg2[%add3A_269] : memref<819200xi32, #tpu.memory_space<hbm>> -> memref<128xi32, #tpu.memory_space<hbm>>
          tpu.wait_dma2 semaphore(%run_scoped3A : memref<!tpu.dma_semaphore, #tpu.memory_space<semaphore_mem>>) src(%dma_wait3A_286 : memref<128xi32, #tpu.memory_space<hbm>>) dst(%arg8 : memref<128xi32, #tpu.memory_space<vmem>>)
          tpu.yield
        }) : () -> ()
        %add3A_270 = arith.constant 5 : i32
        %add3A_271 = arith.addi %add3A_155, %add3A_270 : i32
        %sub3A_272 = arith.constant 1 : i32
        %sub3A_273 = arith.subi %add3A_271, %sub3A_272 : i32
        %mul3A_274 = arith.constant 128 : i32
        %mul3A_275 = arith.muli %sub3A_273, %mul3A_274 : i32
        %add3A_276 = arith.addi %mul3A_2, %mul3A_275 : i32
        %rem3A_277 = arith.constant 200 : i32
        %rem3A_278 = arith.remsi %add3A_276, %rem3A_277 : i32
        %dma_start3A_279 = arith.constant 0 : i32
        %dma_start3A_280 = tpu.memref_slice %arg6[%rem3A_278, %dma_start3A_279] : memref<328x128xf32, #tpu.memory_space<vmem_shared>> -> memref<128x128xf32, #tpu.memory_space<vmem_shared>>
        %dma_start3A_281 = arith.constant 0 : i32
        %dma_start3A_282 = tpu.memref_slice %arg6[%rem3A_278, %dma_start3A_281] : memref<328x128xf32, #tpu.memory_space<vmem_shared>> -> memref<128x128xf32, #tpu.memory_space<vmem_shared>>
        tpu.enqueue_dma source(%dma_start3A_282 : memref<128x128xf32, #tpu.memory_space<vmem_shared>>) target(%arg13 : memref<128x128xf32, #tpu.memory_space<vmem>>) target_semaphore(%arg28 : memref<!tpu.dma_semaphore, #tpu.memory_space<semaphore_mem>>)
      } else {
      }
      %add3A_180 = arith.constant 5 : i32
      %add3A_181 = arith.addi %add3A_155, %add3A_180 : i32
      %sub3A_182 = arith.constant 2 : i32
      %sub3A_183 = arith.subi %add3A_181, %sub3A_182 : i32
      %lt3A_184 = arith.constant 200 : i32
      %lt3A_185 = arith.cmpi slt, %sub3A_183, %lt3A_184 : i32
      %convert_element_type3A_186 = arith.extui %lt3A_185 : i1 to i32
      %cond3A_187 = arith.constant 0 : i32
      %cond3A_188 = arith.cmpi ne, %convert_element_type3A_186, %cond3A_187 : i32
      scf.if %cond3A_188 {
        %dma_wait3A_263 = arith.constant 0 : i32
        %dma_wait3A_264 = arith.constant 0 : i32
        %dma_wait3A_265 = tpu.memref_slice %arg6[%dma_wait3A_263, %dma_wait3A_264] : memref<328x128xf32, #tpu.memory_space<vmem_shared>> -> memref<128x128xf32, #tpu.memory_space<vmem_shared>>
        %dma_wait3A_266 = arith.constant 0 : i32
        %dma_wait3A_267 = arith.constant 0 : i32
        %dma_wait3A_268 = tpu.memref_slice %arg6[%dma_wait3A_266, %dma_wait3A_267] : memref<328x128xf32, #tpu.memory_space<vmem_shared>> -> memref<128x128xf32, #tpu.memory_space<vmem_shared>>
        tpu.wait_dma2 semaphore(%arg27 : memref<!tpu.dma_semaphore, #tpu.memory_space<semaphore_mem>>) src(%dma_wait3A_268 : memref<128x128xf32, #tpu.memory_space<vmem_shared>>) dst(%arg12 : memref<128x128xf32, #tpu.memory_space<vmem>>)
        %dma_start3A_269 = arith.constant 0 : i32
        %dma_start3A_270 = arith.constant 0 : i32
        %dma_start3A_271 = tpu.memref_slice %arg3[%dma_start3A_269, %dma_start3A_270] : memref<100000x128xf32, #tpu.memory_space<hbm>> -> memref<100000x128xf32, #tpu.memory_space<hbm>>
        tpu.enqueue_indirect_dma source(%dma_start3A_271 : memref<100000x128xf32, #tpu.memory_space<hbm>>) target(%arg12 : memref<128x128xf32, #tpu.memory_space<vmem>>) offsets(%arg7 : memref<128xi32, #tpu.memory_space<vmem>>) semaphore(%arg17 : memref<!tpu.dma_semaphore, #tpu.memory_space<semaphore_mem>>) {add = true}
      } else {
      }
      %mul3A_189 = arith.constant 5 : i32
      %mul3A_190 = arith.muli %scan3A_80, %mul3A_189 : i32
      %add3A_191 = arith.constant 3 : i32
      %add3A_192 = arith.addi %mul3A_190, %add3A_191 : i32
      %dma_wait3A_193 = arith.constant 0 : i32
      %dma_wait3A_194 = arith.constant 0 : i32
      %dma_wait3A_195 = tpu.memref_slice %arg3[%dma_wait3A_193, %dma_wait3A_194] : memref<100000x128xf32, #tpu.memory_space<hbm>> -> memref<100000x128xf32, #tpu.memory_space<hbm>>
      tpu.wait_indirect_dma semaphore(%arg20 : memref<!tpu.dma_semaphore, #tpu.memory_space<semaphore_mem>>) src(%dma_wait3A_195 : memref<100000x128xf32, #tpu.memory_space<hbm>>) dst(%arg15 : memref<128x128xf32, #tpu.memory_space<vmem>>)
      %mul3A_196 = arith.constant 128 : i32
      %mul3A_197 = arith.muli %add3A_192, %mul3A_196 : i32
      %add3A_198 = arith.addi %mul3A_2, %mul3A_197 : i32
      %dma_start3A_199 = arith.constant 0 : i32
      %dma_start3A_200 = tpu.memref_slice %arg5[%add3A_198, %dma_start3A_199] : memref<819200x128xf32, #tpu.memory_space<hbm>> -> memref<128x128xf32, #tpu.memory_space<hbm>>
      %dma_start3A_201 = arith.constant 0 : i32
      %dma_start3A_202 = tpu.memref_slice %arg5[%add3A_198, %dma_start3A_201] : memref<819200x128xf32, #tpu.memory_space<hbm>> -> memref<128x128xf32, #tpu.memory_space<hbm>>
      tpu.enqueue_dma source(%arg15 : memref<128x128xf32, #tpu.memory_space<vmem>>) target(%dma_start3A_202 : memref<128x128xf32, #tpu.memory_space<hbm>>) target_semaphore(%arg25 : memref<!tpu.dma_semaphore, #tpu.memory_space<semaphore_mem>>)
      %ge3A_203 = arith.constant 1 : i32
      %ge3A_204 = arith.cmpi sge, %add3A_192, %ge3A_203 : i32
      %convert_element_type3A_205 = arith.extui %ge3A_204 : i1 to i32
      %cond3A_206 = arith.constant 0 : i32
      %cond3A_207 = arith.cmpi ne, %convert_element_type3A_205, %cond3A_206 : i32
      scf.if %cond3A_207 {
        %sub3A_263 = arith.constant 1 : i32
        %sub3A_264 = arith.subi %add3A_192, %sub3A_263 : i32
        %mul3A_265 = arith.constant 128 : i32
        %mul3A_266 = arith.muli %sub3A_264, %mul3A_265 : i32
        %add3A_267 = arith.addi %mul3A_2, %mul3A_266 : i32
        %dma_wait3A_268 = arith.constant 0 : i32
        %dma_wait3A_269 = tpu.memref_slice %arg5[%add3A_267, %dma_wait3A_268] : memref<819200x128xf32, #tpu.memory_space<hbm>> -> memref<128x128xf32, #tpu.memory_space<hbm>>
        %dma_wait3A_270 = arith.constant 0 : i32
        %dma_wait3A_271 = tpu.memref_slice %arg5[%add3A_267, %dma_wait3A_270] : memref<819200x128xf32, #tpu.memory_space<hbm>> -> memref<128x128xf32, #tpu.memory_space<hbm>>
        tpu.wait_dma2 semaphore(%arg24 : memref<!tpu.dma_semaphore, #tpu.memory_space<semaphore_mem>>) src(%arg14 : memref<128x128xf32, #tpu.memory_space<vmem>>) dst(%dma_wait3A_271 : memref<128x128xf32, #tpu.memory_space<hbm>>)
      } else {
      }
      %add3A_208 = arith.constant 5 : i32
      %add3A_209 = arith.addi %add3A_192, %add3A_208 : i32
      %sub3A_210 = arith.constant 1 : i32
      %sub3A_211 = arith.subi %add3A_209, %sub3A_210 : i32
      %lt3A_212 = arith.constant 200 : i32
      %lt3A_213 = arith.cmpi slt, %sub3A_211, %lt3A_212 : i32
      %convert_element_type3A_214 = arith.extui %lt3A_213 : i1 to i32
      %cond3A_215 = arith.constant 0 : i32
      %cond3A_216 = arith.cmpi ne, %convert_element_type3A_214, %cond3A_215 : i32
      scf.if %cond3A_216 {
        %add3A_263 = arith.constant 5 : i32
        %add3A_264 = arith.addi %add3A_192, %add3A_263 : i32
        %sub3A_265 = arith.constant 1 : i32
        %sub3A_266 = arith.subi %add3A_264, %sub3A_265 : i32
        %mul3A_267 = arith.constant 128 : i32
        %mul3A_268 = arith.muli %sub3A_266, %mul3A_267 : i32
        %add3A_269 = arith.addi %mul3A_2, %mul3A_268 : i32
        "tpu.region"() ({
          %run_scoped3A = tpu.sem_alloc : memref<!tpu.dma_semaphore, #tpu.memory_space<semaphore_mem>>
          %dma_start3A_283 = tpu.memref_slice %arg2[%add3A_269] : memref<819200xi32, #tpu.memory_space<hbm>> -> memref<128xi32, #tpu.memory_space<hbm>>
          %dma_start3A_284 = tpu.memref_slice %arg2[%add3A_269] : memref<819200xi32, #tpu.memory_space<hbm>> -> memref<128xi32, #tpu.memory_space<hbm>>
          tpu.enqueue_dma source(%dma_start3A_284 : memref<128xi32, #tpu.memory_space<hbm>>) target(%arg9 : memref<128xi32, #tpu.memory_space<vmem>>) target_semaphore(%run_scoped3A : memref<!tpu.dma_semaphore, #tpu.memory_space<semaphore_mem>>)
          %dma_wait3A_285 = tpu.memref_slice %arg2[%add3A_269] : memref<819200xi32, #tpu.memory_space<hbm>> -> memref<128xi32, #tpu.memory_space<hbm>>
          %dma_wait3A_286 = tpu.memref_slice %arg2[%add3A_269] : memref<819200xi32, #tpu.memory_space<hbm>> -> memref<128xi32, #tpu.memory_space<hbm>>
          tpu.wait_dma2 semaphore(%run_scoped3A : memref<!tpu.dma_semaphore, #tpu.memory_space<semaphore_mem>>) src(%dma_wait3A_286 : memref<128xi32, #tpu.memory_space<hbm>>) dst(%arg9 : memref<128xi32, #tpu.memory_space<vmem>>)
          tpu.yield
        }) : () -> ()
        %add3A_270 = arith.constant 5 : i32
        %add3A_271 = arith.addi %add3A_192, %add3A_270 : i32
        %sub3A_272 = arith.constant 1 : i32
        %sub3A_273 = arith.subi %add3A_271, %sub3A_272 : i32
        %mul3A_274 = arith.constant 128 : i32
        %mul3A_275 = arith.muli %sub3A_273, %mul3A_274 : i32
        %add3A_276 = arith.addi %mul3A_2, %mul3A_275 : i32
        %rem3A_277 = arith.constant 200 : i32
        %rem3A_278 = arith.remsi %add3A_276, %rem3A_277 : i32
        %dma_start3A_279 = arith.constant 0 : i32
        %dma_start3A_280 = tpu.memref_slice %arg6[%rem3A_278, %dma_start3A_279] : memref<328x128xf32, #tpu.memory_space<vmem_shared>> -> memref<128x128xf32, #tpu.memory_space<vmem_shared>>
        %dma_start3A_281 = arith.constant 0 : i32
        %dma_start3A_282 = tpu.memref_slice %arg6[%rem3A_278, %dma_start3A_281] : memref<328x128xf32, #tpu.memory_space<vmem_shared>> -> memref<128x128xf32, #tpu.memory_space<vmem_shared>>
        tpu.enqueue_dma source(%dma_start3A_282 : memref<128x128xf32, #tpu.memory_space<vmem_shared>>) target(%arg14 : memref<128x128xf32, #tpu.memory_space<vmem>>) target_semaphore(%arg29 : memref<!tpu.dma_semaphore, #tpu.memory_space<semaphore_mem>>)
      } else {
      }
      %add3A_217 = arith.constant 5 : i32
      %add3A_218 = arith.addi %add3A_192, %add3A_217 : i32
      %sub3A_219 = arith.constant 2 : i32
      %sub3A_220 = arith.subi %add3A_218, %sub3A_219 : i32
      %lt3A_221 = arith.constant 200 : i32
      %lt3A_222 = arith.cmpi slt, %sub3A_220, %lt3A_221 : i32
      %convert_element_type3A_223 = arith.extui %lt3A_222 : i1 to i32
      %cond3A_224 = arith.constant 0 : i32
      %cond3A_225 = arith.cmpi ne, %convert_element_type3A_223, %cond3A_224 : i32
      scf.if %cond3A_225 {
        %dma_wait3A_263 = arith.constant 0 : i32
        %dma_wait3A_264 = arith.constant 0 : i32
        %dma_wait3A_265 = tpu.memref_slice %arg6[%dma_wait3A_263, %dma_wait3A_264] : memref<328x128xf32, #tpu.memory_space<vmem_shared>> -> memref<128x128xf32, #tpu.memory_space<vmem_shared>>
        %dma_wait3A_266 = arith.constant 0 : i32
        %dma_wait3A_267 = arith.constant 0 : i32
        %dma_wait3A_268 = tpu.memref_slice %arg6[%dma_wait3A_266, %dma_wait3A_267] : memref<328x128xf32, #tpu.memory_space<vmem_shared>> -> memref<128x128xf32, #tpu.memory_space<vmem_shared>>
        tpu.wait_dma2 semaphore(%arg28 : memref<!tpu.dma_semaphore, #tpu.memory_space<semaphore_mem>>) src(%dma_wait3A_268 : memref<128x128xf32, #tpu.memory_space<vmem_shared>>) dst(%arg13 : memref<128x128xf32, #tpu.memory_space<vmem>>)
        %dma_start3A_269 = arith.constant 0 : i32
        %dma_start3A_270 = arith.constant 0 : i32
        %dma_start3A_271 = tpu.memref_slice %arg3[%dma_start3A_269, %dma_start3A_270] : memref<100000x128xf32, #tpu.memory_space<hbm>> -> memref<100000x128xf32, #tpu.memory_space<hbm>>
        tpu.enqueue_indirect_dma source(%dma_start3A_271 : memref<100000x128xf32, #tpu.memory_space<hbm>>) target(%arg13 : memref<128x128xf32, #tpu.memory_space<vmem>>) offsets(%arg8 : memref<128xi32, #tpu.memory_space<vmem>>) semaphore(%arg18 : memref<!tpu.dma_semaphore, #tpu.memory_space<semaphore_mem>>) {add = true}
      } else {
      }
      %mul3A_226 = arith.constant 5 : i32
      %mul3A_227 = arith.muli %scan3A_80, %mul3A_226 : i32
      %add3A_228 = arith.constant 4 : i32
      %add3A_229 = arith.addi %mul3A_227, %add3A_228 : i32
      %dma_wait3A_230 = arith.constant 0 : i32
      %dma_wait3A_231 = arith.constant 0 : i32
      %dma_wait3A_232 = tpu.memref_slice %arg3[%dma_wait3A_230, %dma_wait3A_231] : memref<100000x128xf32, #tpu.memory_space<hbm>> -> memref<100000x128xf32, #tpu.memory_space<hbm>>
      tpu.wait_indirect_dma semaphore(%arg21 : memref<!tpu.dma_semaphore, #tpu.memory_space<semaphore_mem>>) src(%dma_wait3A_232 : memref<100000x128xf32, #tpu.memory_space<hbm>>) dst(%arg16 : memref<128x128xf32, #tpu.memory_space<vmem>>)
      %mul3A_233 = arith.constant 128 : i32
      %mul3A_234 = arith.muli %add3A_229, %mul3A_233 : i32
      %add3A_235 = arith.addi %mul3A_2, %mul3A_234 : i32
      %dma_start3A_236 = arith.constant 0 : i32
      %dma_start3A_237 = tpu.memref_slice %arg5[%add3A_235, %dma_start3A_236] : memref<819200x128xf32, #tpu.memory_space<hbm>> -> memref<128x128xf32, #tpu.memory_space<hbm>>
      %dma_start3A_238 = arith.constant 0 : i32
      %dma_start3A_239 = tpu.memref_slice %arg5[%add3A_235, %dma_start3A_238] : memref<819200x128xf32, #tpu.memory_space<hbm>> -> memref<128x128xf32, #tpu.memory_space<hbm>>
      tpu.enqueue_dma source(%arg16 : memref<128x128xf32, #tpu.memory_space<vmem>>) target(%dma_start3A_239 : memref<128x128xf32, #tpu.memory_space<hbm>>) target_semaphore(%arg26 : memref<!tpu.dma_semaphore, #tpu.memory_space<semaphore_mem>>)
      %ge3A_240 = arith.constant 1 : i32
      %ge3A_241 = arith.cmpi sge, %add3A_229, %ge3A_240 : i32
      %convert_element_type3A_242 = arith.extui %ge3A_241 : i1 to i32
      %cond3A_243 = arith.constant 0 : i32
      %cond3A_244 = arith.cmpi ne, %convert_element_type3A_242, %cond3A_243 : i32
      scf.if %cond3A_244 {
        %sub3A_263 = arith.constant 1 : i32
        %sub3A_264 = arith.subi %add3A_229, %sub3A_263 : i32
        %mul3A_265 = arith.constant 128 : i32
        %mul3A_266 = arith.muli %sub3A_264, %mul3A_265 : i32
        %add3A_267 = arith.addi %mul3A_2, %mul3A_266 : i32
        %dma_wait3A_268 = arith.constant 0 : i32
        %dma_wait3A_269 = tpu.memref_slice %arg5[%add3A_267, %dma_wait3A_268] : memref<819200x128xf32, #tpu.memory_space<hbm>> -> memref<128x128xf32, #tpu.memory_space<hbm>>
        %dma_wait3A_270 = arith.constant 0 : i32
        %dma_wait3A_271 = tpu.memref_slice %arg5[%add3A_267, %dma_wait3A_270] : memref<819200x128xf32, #tpu.memory_space<hbm>> -> memref<128x128xf32, #tpu.memory_space<hbm>>
        tpu.wait_dma2 semaphore(%arg25 : memref<!tpu.dma_semaphore, #tpu.memory_space<semaphore_mem>>) src(%arg15 : memref<128x128xf32, #tpu.memory_space<vmem>>) dst(%dma_wait3A_271 : memref<128x128xf32, #tpu.memory_space<hbm>>)
      } else {
      }
      %add3A_245 = arith.constant 5 : i32
      %add3A_246 = arith.addi %add3A_229, %add3A_245 : i32
      %sub3A_247 = arith.constant 1 : i32
      %sub3A_248 = arith.subi %add3A_246, %sub3A_247 : i32
      %lt3A_249 = arith.constant 200 : i32
      %lt3A_250 = arith.cmpi slt, %sub3A_248, %lt3A_249 : i32
      %convert_element_type3A_251 = arith.extui %lt3A_250 : i1 to i32
      %cond3A_252 = arith.constant 0 : i32
      %cond3A_253 = arith.cmpi ne, %convert_element_type3A_251, %cond3A_252 : i32
      scf.if %cond3A_253 {
        %add3A_263 = arith.constant 5 : i32
        %add3A_264 = arith.addi %add3A_229, %add3A_263 : i32
        %sub3A_265 = arith.constant 1 : i32
        %sub3A_266 = arith.subi %add3A_264, %sub3A_265 : i32
        %mul3A_267 = arith.constant 128 : i32
        %mul3A_268 = arith.muli %sub3A_266, %mul3A_267 : i32
        %add3A_269 = arith.addi %mul3A_2, %mul3A_268 : i32
        "tpu.region"() ({
          %run_scoped3A = tpu.sem_alloc : memref<!tpu.dma_semaphore, #tpu.memory_space<semaphore_mem>>
          %dma_start3A_283 = tpu.memref_slice %arg2[%add3A_269] : memref<819200xi32, #tpu.memory_space<hbm>> -> memref<128xi32, #tpu.memory_space<hbm>>
          %dma_start3A_284 = tpu.memref_slice %arg2[%add3A_269] : memref<819200xi32, #tpu.memory_space<hbm>> -> memref<128xi32, #tpu.memory_space<hbm>>
          tpu.enqueue_dma source(%dma_start3A_284 : memref<128xi32, #tpu.memory_space<hbm>>) target(%arg10 : memref<128xi32, #tpu.memory_space<vmem>>) target_semaphore(%run_scoped3A : memref<!tpu.dma_semaphore, #tpu.memory_space<semaphore_mem>>)
          %dma_wait3A_285 = tpu.memref_slice %arg2[%add3A_269] : memref<819200xi32, #tpu.memory_space<hbm>> -> memref<128xi32, #tpu.memory_space<hbm>>
          %dma_wait3A_286 = tpu.memref_slice %arg2[%add3A_269] : memref<819200xi32, #tpu.memory_space<hbm>> -> memref<128xi32, #tpu.memory_space<hbm>>
          tpu.wait_dma2 semaphore(%run_scoped3A : memref<!tpu.dma_semaphore, #tpu.memory_space<semaphore_mem>>) src(%dma_wait3A_286 : memref<128xi32, #tpu.memory_space<hbm>>) dst(%arg10 : memref<128xi32, #tpu.memory_space<vmem>>)
          tpu.yield
        }) : () -> ()
        %add3A_270 = arith.constant 5 : i32
        %add3A_271 = arith.addi %add3A_229, %add3A_270 : i32
        %sub3A_272 = arith.constant 1 : i32
        %sub3A_273 = arith.subi %add3A_271, %sub3A_272 : i32
        %mul3A_274 = arith.constant 128 : i32
        %mul3A_275 = arith.muli %sub3A_273, %mul3A_274 : i32
        %add3A_276 = arith.addi %mul3A_2, %mul3A_275 : i32
        %rem3A_277 = arith.constant 200 : i32
        %rem3A_278 = arith.remsi %add3A_276, %rem3A_277 : i32
        %dma_start3A_279 = arith.constant 0 : i32
        %dma_start3A_280 = tpu.memref_slice %arg6[%rem3A_278, %dma_start3A_279] : memref<328x128xf32, #tpu.memory_space<vmem_shared>> -> memref<128x128xf32, #tpu.memory_space<vmem_shared>>
        %dma_start3A_281 = arith.constant 0 : i32
        %dma_start3A_282 = tpu.memref_slice %arg6[%rem3A_278, %dma_start3A_281] : memref<328x128xf32, #tpu.memory_space<vmem_shared>> -> memref<128x128xf32, #tpu.memory_space<vmem_shared>>
        tpu.enqueue_dma source(%dma_start3A_282 : memref<128x128xf32, #tpu.memory_space<vmem_shared>>) target(%arg15 : memref<128x128xf32, #tpu.memory_space<vmem>>) target_semaphore(%arg30 : memref<!tpu.dma_semaphore, #tpu.memory_space<semaphore_mem>>)
      } else {
      }
      %add3A_254 = arith.constant 5 : i32
      %add3A_255 = arith.addi %add3A_229, %add3A_254 : i32
      %sub3A_256 = arith.constant 2 : i32
      %sub3A_257 = arith.subi %add3A_255, %sub3A_256 : i32
      %lt3A_258 = arith.constant 200 : i32
      %lt3A_259 = arith.cmpi slt, %sub3A_257, %lt3A_258 : i32
      %convert_element_type3A_260 = arith.extui %lt3A_259 : i1 to i32
      %cond3A_261 = arith.constant 0 : i32
      %cond3A_262 = arith.cmpi ne, %convert_element_type3A_260, %cond3A_261 : i32
      scf.if %cond3A_262 {
        %dma_wait3A_263 = arith.constant 0 : i32
        %dma_wait3A_264 = arith.constant 0 : i32
        %dma_wait3A_265 = tpu.memref_slice %arg6[%dma_wait3A_263, %dma_wait3A_264] : memref<328x128xf32, #tpu.memory_space<vmem_shared>> -> memref<128x128xf32, #tpu.memory_space<vmem_shared>>
        %dma_wait3A_266 = arith.constant 0 : i32
        %dma_wait3A_267 = arith.constant 0 : i32
        %dma_wait3A_268 = tpu.memref_slice %arg6[%dma_wait3A_266, %dma_wait3A_267] : memref<328x128xf32, #tpu.memory_space<vmem_shared>> -> memref<128x128xf32, #tpu.memory_space<vmem_shared>>
        tpu.wait_dma2 semaphore(%arg29 : memref<!tpu.dma_semaphore, #tpu.memory_space<semaphore_mem>>) src(%dma_wait3A_268 : memref<128x128xf32, #tpu.memory_space<vmem_shared>>) dst(%arg14 : memref<128x128xf32, #tpu.memory_space<vmem>>)
        %dma_start3A_269 = arith.constant 0 : i32
        %dma_start3A_270 = arith.constant 0 : i32
        %dma_start3A_271 = tpu.memref_slice %arg3[%dma_start3A_269, %dma_start3A_270] : memref<100000x128xf32, #tpu.memory_space<hbm>> -> memref<100000x128xf32, #tpu.memory_space<hbm>>
        tpu.enqueue_indirect_dma source(%dma_start3A_271 : memref<100000x128xf32, #tpu.memory_space<hbm>>) target(%arg14 : memref<128x128xf32, #tpu.memory_space<vmem>>) offsets(%arg9 : memref<128xi32, #tpu.memory_space<vmem>>) semaphore(%arg19 : memref<!tpu.dma_semaphore, #tpu.memory_space<semaphore_mem>>) {add = true}
      } else {
      }
    }
    %scan3A_73 = arith.constant 40 : i32
    %add3A_74 = arith.constant 25472 : i32
    %add3A_75 = arith.addi %mul3A_2, %add3A_74 : i32
    %dma_wait3A_76 = arith.constant 0 : i32
    %dma_wait3A_77 = tpu.memref_slice %arg5[%add3A_75, %dma_wait3A_76] : memref<819200x128xf32, #tpu.memory_space<hbm>> -> memref<128x128xf32, #tpu.memory_space<hbm>>
    %dma_wait3A_78 = arith.constant 0 : i32
    %dma_wait3A_79 = tpu.memref_slice %arg5[%add3A_75, %dma_wait3A_78] : memref<819200x128xf32, #tpu.memory_space<hbm>> -> memref<128x128xf32, #tpu.memory_space<hbm>>
    tpu.wait_dma2 semaphore(%arg26 : memref<!tpu.dma_semaphore, #tpu.memory_space<semaphore_mem>>) src(%arg16 : memref<128x128xf32, #tpu.memory_space<vmem>>) dst(%dma_wait3A_79 : memref<128x128xf32, #tpu.memory_space<hbm>>)
    return
  }
}

</mosaic_0001>

<sc_bundles>
// kernel: kernel.3.cloned.1.call-start
scs
__scs_entry_jumppad:
0x0: {  	(pc) =	sbr.rel $0x88, $3  }
0x1: {  	(tag) =	ssettag $0x0;
	lr =	simm.s32 $0x1  }
0x2: {  	[smem:$0x3F9E] =	sst lr;
	_ =	strace $0xD0000000  }
0x3: {  	_ = 	snop  }
0x4: {  	_ = 	snop  }
0x5: {  	_ = 	snop  }
0x6: {  	_ = 	snop  }
0x7: {  	_ = 	snop  }
__scs_overlays_trampoline_lowered:
0x8: {  	[smem:$0x3FAD] =	sst s0  }
0x9: {  	[smem:$0x3FAE] =	sst s1  }
0xa: {  	[smem:$0x3FAF] =	sst s2  }
0xb: {  	[smem:$0x3FB0] =	sst s3  }
0xc: {  	[smem:$0x3FB1] =	sst s4  }
0xd: {  	[smem:$0x3FB2] =	sst s5  }
0xe: {  	[smem:$0x3FB3] =	sst s6  }
0xf: {  	[smem:$0x3FB4] =	sst s7  }
0x10: {  	[smem:$0x3FB5] =	sst s8  }
0x11: {  	[smem:$0x3FB6] =	sst s9;
	s0 =	simm.s32 @!p0 $0x0  }
0x12: {  	s1 =	sld [smem:$0x3F9C];
	s0 =	simm.s32 @p0 $0x1  }
0x13: {  	[smem:$0x3FB7] =	sst s0;
	s0 =	simm.s32 @!p1 $0x0  }
0x14: {  	s2 =	sld [smem:$0x3F9B];
	s0 =	simm.s32 @p1 $0x1  }
0x15: {  	[smem:$0x3FB8] =	sst s0;
	s0 =	simm.s32 @!p2 $0x0  }
0x16: {  	s3 =	sld [smem:$0x3FDB];
	s0 =	simm.s32 @p2 $0x1  }
0x17: {  	s4 =	simm.s32 $0x1BF5;
	[smem:$0x3FBA] =	sst s0  }
0x18: {  	s0 =	sld [smem:$0x3F9D];
	_ =	swait.ge [sflag:s4], $0x0  }
0x19: {  	s7 =	sld [smem:$0x3F9E]  }
0x1a: {  	s8 =	sadd.s32 $0xFFFFE003, lr  }
0x1b: {  	s9 =	sadd.s32 $0xFFFFFEF7, lr;
	s5 =	simm.s32 $0xFFFFFFFF;
	p2 =	slt.u32 s8, $0xFFFFF086  }
0x1c: {  	p1 =	slt.u32 s9, $0xF7A;
	s5 =	simm.s32 @!p2 $0x0  }
0x1d: {  	s5 =	simm.s32 @p1 $0x1;
	p0 =	seq.s32 s7, s2  }
0x1e: {  	s7 =	smul.u32 @!p0 $0xF7A, s2;
	p2 =	seq.s32 @!p0 s5, $0x0  }
0x1f: {  	s9 =	smul.u32 $0xF7A, s1;
	s8 =	simm.s32 @!p0 $0x1BF5;
	p2 =	por !p2, p0  }
0x20: {  	[sflag:s8] =	ssyncset.s32 @!p0 $0xFFFFF086;
	s6 =	sadd.s32 @!p0 s3, s7;
	s7 =	simm.s32 @!p0 $0x108  }
0x21: {  	s3 =	sadd.s32 s3, s9;
	s6 =	sadd.s32 @!p0 $0x88, s6;
	s7 =	simm.s32 @p2 $0x1082  }
0x22: {  	[simem:s7], [sflag:s8] =	dma.local @!p0 [hbm:s6], $0xF7A  }
0x23: {  	s9 =	sor.u32 $0xD0000000, s2;
	s6 =	simm.s32 $0x108;
	_ =	swait.ge @!p0 [sflag:s8], $0x0  }
0x24: {  	s3 =	sadd.s32 $0x88, s3;
	s6 =	simm.s32 @!p1 $0x1082;
	[sflag:s4] =	ssyncset.s32 $0xFFFFF086  }
0x25: {  	[simem:s6], [sflag:s4] =	dma.local [hbm:s3], $0xF7A  }
0x26: {  	[smem:$0x3F9E] =	sst s1;
	(tag) =	ssettag s2;
	_ =	strace s9  }
0x27: {  	s1 =	sld [smem:$0x3FAE]  }
0x28: {  	s2 =	sld [smem:$0x3FAF]  }
0x29: {  	s4 =	sld [smem:$0x3FB1]  }
0x2a: {  	p0 =	seq.s32 s5, $0x0;
	s5 =	sld [smem:$0x3FB2]  }
0x2b: {  	s6 =	sld [smem:$0x3FB3]  }
0x2c: {  	s7 =	sld [smem:$0x3FB4]  }
0x2d: {  	s3 =	simm.s32 $0x108;
	s8 =	sld [smem:$0x3FB5]  }
0x2e: {  	s3 =	simm.s32 @!p0 $0x1082;
	s9 =	sld [smem:$0x3FB6]  }
0x2f: {  	lr =	sadd.s32 s0, s3;
	s0 =	sld [smem:$0x3FAD]  }
0x30: {  	s3 =	sld [smem:$0x3FB0]  }
0x31: {  	[smem:$0x3FB9] =	sst s10  }
0x32: {  	s10 =	sld [smem:$0x3FB7];
	_ =	sdelay $0x3  }
0x33: {  	p0 =	seq.s32 s10, $0x1;
	s10 =	sld [smem:$0x3FB9];
	_ =	sdelay $0x3  }
0x34: {  	[smem:$0x3FB9] =	sst s10  }
0x35: {  	s10 =	sld [smem:$0x3FB8];
	_ =	sdelay $0x3  }
0x36: {  	p1 =	seq.s32 s10, $0x1;
	s10 =	sld [smem:$0x3FB9];
	_ =	sdelay $0x3  }
0x37: {  	[smem:$0x3FB9] =	sst s10  }
0x38: {  	s10 =	sld [smem:$0x3FBA]  }
0x39: {  	_ = 	snop;
	(pc) =	sbr.ind lr, $3  }
0x3a: {  	_ = 	snop  }
0x3b: {  	_ = 	snop  }
0x3c: {  	p2 =	seq.s32 s10, $0x1;
	s10 =	sld [smem:$0x3FB9]  }
0x3d: {  	_ =	shalt  }
0x3e: {  	_ =	shalt  }
0x3f: {  	_ =	shalt  }
0x40: {  	_ =	shalt  }
0x41: {  	_ =	shalt  }
0x42: {  	_ =	shalt  }
0x43: {  	_ =	shalt  }
0x44: {  	_ =	shalt  }
0x45: {  	_ =	shalt  }
0x46: {  	_ =	shalt  }
0x47: {  	_ =	shalt  }
0x48: {  	_ =	shalt  }
0x49: {  	_ =	shalt  }
0x4a: {  	_ =	shalt  }
0x4b: {  	_ =	shalt  }
0x4c: {  	_ =	shalt  }
0x4d: {  	_ =	shalt  }
0x4e: {  	_ =	shalt  }
0x4f: {  	_ =	shalt  }
0x50: {  	_ =	shalt  }
0x51: {  	_ =	shalt  }
0x52: {  	_ =	shalt  }
0x53: {  	_ =	shalt  }
0x54: {  	_ =	shalt  }
0x55: {  	_ =	shalt  }
0x56: {  	_ =	shalt  }
0x57: {  	_ =	shalt  }
0x58: {  	_ =	shalt  }
0x59: {  	_ =	shalt  }
0x5a: {  	_ =	shalt  }
0x5b: {  	_ =	shalt  }
0x5c: {  	_ =	shalt  }
0x5d: {  	_ =	shalt  }
0x5e: {  	_ =	shalt  }
0x5f: {  	_ =	shalt  }
0x60: {  	_ =	shalt  }
0x61: {  	_ =	shalt  }
0x62: {  	_ =	shalt  }
0x63: {  	_ =	shalt  }
0x64: {  	_ =	shalt  }
0x65: {  	_ =	shalt  }
0x66: {  	_ =	shalt  }
0x67: {  	_ =	shalt  }
0x68: {  	_ =	shalt  }
0x69: {  	_ =	shalt  }
0x6a: {  	_ =	shalt  }
0x6b: {  	_ =	shalt  }
0x6c: {  	_ =	shalt  }
0x6d: {  	_ =	shalt  }
0x6e: {  	_ =	shalt  }
0x6f: {  	_ =	shalt  }
0x70: {  	_ =	shalt  }
0x71: {  	_ =	shalt  }
0x72: {  	_ =	shalt  }
0x73: {  	_ =	shalt  }
0x74: {  	_ =	shalt  }
0x75: {  	_ =	shalt  }
0x76: {  	_ =	shalt  }
0x77: {  	_ =	shalt  }
0x78: {  	_ =	shalt  }
0x79: {  	_ =	shalt  }
0x7a: {  	_ =	shalt  }
0x7b: {  	_ =	shalt  }
0x7c: {  	_ =	shalt  }
0x7d: {  	_ =	shalt  }
0x7e: {  	_ =	shalt  }
0x7f: {  	_ =	shalt  }
0x80: {  	_ =	shalt  }
0x81: {  	_ =	shalt  }
0x82: {  	_ =	shalt  }
0x83: {  	_ =	shalt  }
0x84: {  	_ =	shalt  }
0x85: {  	_ =	shalt  }
0x86: {  	_ =	shalt  }
0x87: {  	_ =	shalt  }
.Lfunc_end0:
.L_simem_size_0:
called_computation_lowered:
.L_overlay_start_0:
0x88: {  	s2 =	sld [smem:$0x3FD9]  }
0x89: {  	s3 =	sld [smem:$0x3FFE];
	_ =	sdelay $0x1  }
0x8a: {  	s1 =	srdreg.scid  }
0x8b: {  	s0 =	sand.u32 $0x1, s1  }
0x8c: {  	s17 =	sshll.u32 s0, $0xA;
	s2 =	sadd.s32 s3, s2  }
0x8d: {  	s2 =	sadd.s32 s2, s17  }
0x8e: {  	[smem:$0x3FC5] =	sst s2  }
0x8f: {  	_ = 	snop  }
0x90: {  	s2 =	sld [smem:$0x3FC8]  }
0x91: {  	s18 =	sld [smem:$0x3FC7]  }
0x92: {  	s4 =	sld [smem:$0x3FD0];
	(tm) =	ssettm $0x1  }
0x93: {  	s5 =	sld [smem:$0x3FFB];
	_ =	sdelay $0x3  }
0x94: {  	_ =	strace s5  }
0x95: {  	s5 =	sld [smem:$0x3FFC];
	_ =	sdelay $0x3  }
0x96: {  	_ =	strace s5  }
0x97: {  	s5 =	sld [smem:$0x3FFD];
	_ =	sdelay $0x3  }
0x98: {  	_ =	strace s5  }
0x99: {  	_ =	strace $0x8FFFFFFF  }
0x9a: {  	s19 =	sld [smem:$0x3FDB];
	_ =	sdelay $0x1  }
0x9b: {  	s6 =	simm.s32 $_scs_section_size  }
0x9c: {  	s7 =	simm.s32 $_size__tile_overlayer_lowered;
	s8 =	simm.s32 $_tile_overlayer_lowered  }
0x9d: {  	s22 =	simm.s32 $0x1BFF;
	s21 =	sshll.u32 s8, $0x1;
	s5 =	sadd.s32 s6, s19  }
0x9e: {  	s9 =	simm.s32 $0x0;
	s20 =	sshll.u32 s7, $0x1;
	s7 =	sadd.s32 s21, s5  }
0x9f: {  	[timem:s9], [sflag:s22] =	dma.local [hbm:s7], s20  }
0xa0: {  	_ =	swait.ge [sflag:s22], s20  }
0xa1: {  	s6 =	ssub.s32 $0x0, s20;
	[sflag:s22] =	ssyncset.done $0x0  }
0xa2: {  	[sflag:s22] =	ssyncadd.s32 s6;
	_ =	sdelay $0x1  }
0xa3: {  	s23 =	simm.s32 $0x1B8B  }
0xa4: {  	_ =	swait.ge [sflag:s23], $0x1  }
0xa5: {  	[sflag:s23] =	ssyncset.done $0x0  }
0xa6: {  	s25 =	simm.s32 $0x1B8E;
	s24 =	sld [smem:$0x3FFE];
	[sflag:s23] =	ssyncadd.s32 $0xFFFFFFFF  }
0xa7: {  	s26 =	simm.s32 $execute0_lowered;
	[smem:$0x3FD2] =	sst s25  }
0xa8: {  	s7 =	sshll.u32 s26, $0x1;
	_ =	strace $0x80000046;
	[dreg:$0x1] =	wrdreg $0xFFFFFFFF  }
0xa9: {  	s28 =	simm.s32 $_size_execute0_lowered;
	s5 =	sadd.s32 s5, s7;
	[dreg:$0x0] =	wrdreg $0x0  }
0xaa: {  	s7 =	sshll.u32 s28, $0x1;
	[dreg:$0x2] =	wrdreg s5  }
0xab: {  	[dreg:$0x3] =	wrdreg s7  }
0xac: {  	[dreg:$0x4] =	wrdreg $0xC0  }
0xad: {  	_ =	task [dreg:s9], $0x5FFFF  }
0xae: {  	[dreg:$0x1] =	wrdreg $0xFFFFFFFF  }
0xaf: {  	[dreg:$0x0] =	wrdreg $0x60  }
0xb0: {  	[dreg:$0x2] =	wrdreg s24  }
0xb1: {  	[dreg:$0x3] =	wrdreg s2  }
0xb2: {  	[dreg:$0x4] =	wrdreg s18  }
0xb3: {  	[dreg:$0x5] =	wrdreg s4  }
0xb4: {  	[dreg:$0x6] =	wrdreg $0x0  }
0xb5: {  	[dreg:$0x7] =	wrdreg $0x9  }
0xb6: {  	_ =	task.clear_ibuf [dreg:s9], $0x8FFFF;
	_ =	strace $0x90000046  }
0xb7: {  	s29 =	simm.s32 $0x9;
	_ =	strace $0x80000048  }
0xb8: {  	_ =	swait.ge [sflag:s29], $0x1  }
0xb9: {  	[sflag:s29] =	ssyncadd.s32 $0xFFFFFFFF  }
0xba: {  	_ =	strace $0x90000048  }
0xbb: {  	_ =	sfence  }
0xbc: {  	s30 =	sld [smem:$0x0];
	_ =	sdelay $0x2  }
0xbd: {  	s31 =	sshll.u32 s1, $0xD;
	s1 =	sshrl.u32 s1, $0x2  }
0xbe: {  	s3 =	sand.u32 $0x4000, s31;
	s1 =	sadd.s32 s1, s30  }
0xbf: {  	s0 =	sor.u32 s3, s0;
	s1 =	sshll.u32 s1, $0x11  }
0xc0: {  	s0 =	sor.u32 s1, s0  }
0xc1: {  	s0 =	sadd.s32 $0x8F2B, s0  }
0xc2: {  	[sflag:s0] =	ssyncadd.remote.s32 $0x1  }
0xc3: {  	_ =	sfence.sel $0xFFFF  }
0xc4: {  	[dreg:$0x0] =	wrdreg $0xFFFFFFFF;
	(pc) =	sbr.abs _section_cstart, $3  }
0xc5: {  	[dreg:$0x1] =	wrdreg $0xFFFFFFFF  }
0xc6: {  	_ =	task.clear_ibuf [dreg:s9], $0x2FFFF;
	_ =	strace $0x9FFFFFFF  }
0xc7: {  	(tm) =	ssettm $0x7FFFFFFF  }
tec
execute0_lowered:
.L_overlay_start_1:
0x0: {  	(tag) =	ssettag $0x1  }
0x1: {  	s0 =	srdreg.scid  }
0x2: {  	s2 =	stileid.u32;
	s3 =	rddreg [dreg:$0x0]  }
0x3: {  	s6 =	rddreg [dreg:$0x3];
	s1 =	simm.s32 $0x0;
	s30 =	simm.s32 $0x8  }
0x4: {  	s29 =	simm.s32 $0x9;
	s31 =	simm.s32 $0x10CC0;
	s14 =	smul.u32 $0x640000, s2  }
0x5: {  	s4 =	sand.u32 $0x1, s0;
	s22 =	sshll.u32 s2, $0x1;
	s17 =	smul.u32 $0x1900000, s2  }
0x6: {  	s28 =	simm.s32 $0x80;
	s18 =	smul.u32 $0xC800, s2;
	s0 =	sor.u32 s4, s22  }
0x7: {  	[smem:$0x7FF] =	sst s1;
	s11 =	sadd.s32 $0x400, s3;
	s5 =	smul.u32 $0x6400, s0  }
0x8: {  	p0 =	sne.s32 s2, $0x0;
	s23 =	ssub.s32 $0x2, s4;
	s15 =	smul.u32 $0x320000, s4  }
0x9: {  	s20 =	smul.u32 $0x6400, s4;
	s0 =	rddreg [dreg:$0x1];
	s7 =	sor.u32 $0x80, s5  }
0xa: {  	s12 =	sshrl.u32 s23, $0x1;
	s9 =	sor.u32 $0x100, s5;
	s8 =	smulhi.u32 $0x147AE15, s7  }
0xb: {  	s13 =	sor.u32 $0x180, s5;
	s5 =	sshrl.u32 s5, $0x3;
	s10 =	smulhi.u32 $0x147AE15, s9  }
0xc: {  	s3 =	ssub.s32 s23, s12;
	s24 =	smulhi.u32 $0x147AE15, s13;
	s5 =	sadd.s32 s11, s5  }
0xd: {  	s25 =	sshrl.u32 s7, $0x3;
	s26 =	sshrl.u32 s9, $0x3;
	s8 =	smul.u32 $0xC8, s8  }
0xe: {  	[dreg:$0x6] =	wrdreg s5;
	s5 =	sadd.s32 s11, s25;
	s10 =	smul.u32 $0xC8, s10  }
0xf: {  	[dreg:$0x7] =	wrdreg s5;
	s5 =	sadd.s32 s11, s26;
	s12 =	smul.u32 $0xC8, s24  }
0x10: {  	s3 =	smax.u32 s3, $0x1;
	s24 =	smul.u32 $0xC8000, s2;
	[dreg:$0x8] =	wrdreg s5  }
0x11: {  	s7 =	ssub.s32 s7, s8;
	s5 =	ssub.s32 s9, s10;
	s9 =	sshrl.u32 s13, $0x3  }
0x12: {  	s10 =	sadd.s32 s15, s14;
	s14 =	sadd.s32 s24, s6;
	s8 =	sadd.s32 s11, s9  }
0x13: {  	s16 =	sor.u32 $0xC000, s10;
	s9 =	ssub.s32 s13, s12;
	s19 =	sor.u32 $0x8000, s10  }
0x14: {  	s15 =	sor.u32 $0x4000, s10;
	s13 =	sadd.s32 s20, s18;
	s20 =	rddreg [dreg:$0x4]  }
0x15: {  	s10 =	sor.u32 $0x10000, s10;
	[dreg:$0x9] =	wrdreg s8;
	s8 =	sshrl.u32 s16, $0x3  }
0x16: {  	s16 =	smul.u32 $0xC80000, s4;
	s21 =	sshrl.u32 s15, $0x3;
	s22 =	sadd.s32 $0x400, s13  }
0x17: {  	s23 =	sor.u32 $0x380, s13;
	s4 =	smul.u32 $0x64000, s4;
	[dreg:$0xd] =	wrdreg s22  }
0x18: {  	s26 =	sor.u32 $0x300, s13;
	s10 =	sshrl.u32 s10, $0x3;
	[dreg:$0xe] =	wrdreg s23  }
0x19: {  	s18 =	sor.u32 $0x280, s13;
	s24 =	sshll.u32 s9, $0x7;
	[dreg:$0x10] =	wrdreg s26  }
0x1a: {  	s8 =	sadd.s32 s8, s6;
	s12 =	sshrl.u32 s22, $0x3;
	[dreg:$0x15] =	wrdreg s18  }
0x1b: {  	s25 =	sshrl.u32 s23, $0x3;
	[dreg:$0xa] =	wrdreg s8;
	s12 =	sadd.s32 s12, s11  }
0x1c: {  	s22 =	sshll.u32 s7, $0x7;
	s4 =	sadd.s32 s4, s14;
	[dreg:$0xf] =	wrdreg s12  }
0x1d: {  	s8 =	sshrl.u32 s19, $0x3;
	s19 =	sor.u32 $0x200, s13;
	[dreg:$0x11] =	wrdreg s4  }
0x1e: {  	s23 =	sshll.u32 s5, $0x7;
	s8 =	sadd.s32 s8, s6;
	[dreg:$0x16] =	wrdreg s19  }
0x1f: {  	s5 =	simm.s32 $0x0;
	s12 =	sadd.s32 s25, s11;
	[dreg:$0xb] =	wrdreg s8  }
0x20: {  	s2 =	sadd.s32 s22, s20;
	s8 =	sadd.s32 s21, s6;
	[dreg:$0x12] =	wrdreg s12  }
0x21: {  	s14 =	simm.s32 $0xBC0;
	s25 =	sadd.s32 s24, s20;
	[dreg:$0xc] =	wrdreg s8  }
0x22: {  	s8 =	sadd.s32 s16, s17;
	s16 =	sshrl.u32 s26, $0x3;
	s17 =	sadd.s32 s10, s6  }
0x23: {  	s6 =	sshrl.u32 s19, $0x3;
	s4 =	sadd.s32 s16, s11;
	[dreg:$0x14] =	wrdreg s17  }
0x24: {  	s21 =	sadd.s32 s6, s11;
	[dreg:$0x13] =	wrdreg s4;
	s4 =	sshrl.u32 s18, $0x3  }
0x25: {  	s24 =	simm.s32 $0x8CC0;
	[dreg:$0x18] =	wrdreg s21;
	s4 =	sadd.s32 s4, s11  }
0x26: {  	s26 =	sadd.s32 $0x80000, s8;
	s17 =	simm.s32 $0xCCC0;
	[dreg:$0x17] =	wrdreg s4  }
0x27: {  	s18 =	simm.s32 $0x80;
	_ =	strace $0x80000047;
	[dreg:$0x19] =	wrdreg s2  }
.Ltmp0:
0x28: {  	s2 =	sadd.s32 s23, s20;
	[dreg:$0x1b] =	wrdreg s25;
	(pc) =	sbr.rel .LBB2_1-.Ltmp0, $4  }
0x29: {  	s21 =	simm.s32 $0x4;
	[dreg:$0x1a] =	wrdreg s2;
	s2 =	sshrl.u32 s26, $0x2  }
0x2a: {  	[dreg:$0x1c] =	wrdreg s3;
	s3 =	sadd.s32 $0x6400, s20;
	s2 =	sadd.s32 s2, s20  }
0x2b: {  	s26 =	simm.s32 $0xCCC0;
	[dreg:$0x1d] =	wrdreg s2;
	s2 =	sshrl.u32 @!p0 s3, $0x3  }
0x2c: {  	s20 =	simm.s32 $0x10;
	s3 =	simm.s32 $0x5;
	[dreg:$0x1e] =	wrdreg s2  }
.LBB2_4:
0x2d: {  	s4 =	simm.s32 $0xA  }
0x2e: {  	_ =	swait.ge [sflag:s4], $0x4000  }
0x2f: {  	s5 =	rddreg [dreg:$0x1f]  }
0x30: {  	s2 =	rddreg [dreg:$0x1c];
	s5 =	sadd.s32 $0x1, s5  }
0x31: {  	p1 =	sne.s32 s5, s2  }
.Ltmp1:
0x32: {  	_ = 	snop;
	(pc) =	sbr.rel @!p1 .LBB2_5-.Ltmp1, $3  }
0x33: {  	_ =	sdelay $0x1  }
0x34: {  	s24 =	simm.s32 $0x8CC0;
	s14 =	simm.s32 $0xBC0;
	[sflag:s4] =	ssyncset.done $0x0  }
0x35: {  	s17 =	simm.s32 $0xCCC0;
	s18 =	simm.s32 $0x80;
	[sflag:s4] =	ssyncadd.s32 $0xFFFFC000  }
.LBB2_1:
0x36: {  	[dreg:$0x1f] =	wrdreg s5  }
0x37: {  	s6 =	rddreg [dreg:$0x4]  }
0x38: {  	s4 =	simm.s32 @!p0 $0x1C10;
	s5 =	rddreg [dreg:$0x2];
	s2 =	sshrl.u32 @!p0 s6, $0x3  }
0x39: {  	[spmem:s2], [sflag:s4] =	dma.local @!p0 [hbm:s5], $0xC80  }
0x3a: {  	s2 =	simm.s32 @!p0 $0x10  }
0x3b: {  	_ =	swait.ge @!p0 [sflag:s2], $0xC80  }
0x3c: {  	[sflag:s2] =	ssyncset.done @!p0 $0x0  }
0x3d: {  	s7 =	rddreg [dreg:$0x1e];
	[sflag:s2] =	ssyncadd.s32 @!p0 $0xFFFFF380  }
0x3e: {  	[spmem:s7], [sflag:s4] =	dma.local @!p0 [hbm:s5], $0x800  }
0x3f: {  	_ =	swait.ge @!p0 [sflag:s2], $0x800  }
0x40: {  	[sflag:s2] =	ssyncset.done @!p0 $0x0  }
0x41: {  	[sflag:s2] =	ssyncadd.s32 @!p0 $0xFFFFF800  }
0x42: {  	[bflag:$0x0] =	sbarrier.arrive $0xFFFF  }
0x43: {  	s5 =	simm.s32 $0xA40;
	s4 =	rddreg [dreg:$0x6]  }
0x44: {  	[tilespmem:s5], [sflag:$0x10] =	stream.linear.gather [hbm4b:s4+s1], $0x80, $0x38;
	[tilespmem:$0x14CC0] =	vst v63  }
0x45: {  	_ =	swait.ge [sflag:s20], $0x80  }
0x46: {  	[sflag:s20] =	ssyncset.done $0x0  }
0x47: {  	s7 =	simm.s32 $0xCC0;
	[sflag:s20] =	ssyncadd.s32 $0xFFFFFF80  }
0x48: {  	[tilespmem:s7], [sflag:$0xB] =	stream.linear.gather [spmem:s6], $0x4000, $0x38;
	[tilespmem:$0x14CC0] =	vst v63  }
0x49: {  	s10 =	simm.s32 $0xAC0;
	s9 =	rddreg [dreg:$0x7]  }
0x4a: {  	[tilespmem:s10], [sflag:$0x10] =	stream.linear.gather [hbm4b:s9+s1], $0x80, $0x38;
	[tilespmem:$0x14CC0] =	vst v63  }
0x4b: {  	_ =	swait.ge [sflag:s20], $0x80  }
0x4c: {  	[sflag:s20] =	ssyncset.done $0x0  }
0x4d: {  	s12 =	simm.s32 $0x4CC0;
	s11 =	rddreg [dreg:$0x19];
	[sflag:s20] =	ssyncadd.s32 $0xFFFFFF80  }
0x4e: {  	[tilespmem:s12], [sflag:$0xC] =	stream.linear.gather [spmem:s11], $0x4000, $0x38;
	[tilespmem:$0x14CC0] =	vst v63  }
0x4f: {  	s8 =	simm.s32 $0xB40;
	s13 =	rddreg [dreg:$0x8]  }
0x50: {  	[tilespmem:s8], [sflag:$0x10] =	stream.linear.gather [hbm4b:s13+s1], $0x80, $0x38;
	[tilespmem:$0x14CC0] =	vst v63  }
0x51: {  	_ =	swait.ge [sflag:s20], $0x80  }
0x52: {  	[sflag:s20] =	ssyncset.done $0x0  }
0x53: {  	s15 =	rddreg [dreg:$0x1a];
	[sflag:s20] =	ssyncadd.s32 $0xFFFFFF80  }
0x54: {  	[tilespmem:s24], [sflag:$0xD] =	stream.linear.gather [spmem:s15], $0x4000, $0x38;
	[tilespmem:$0x14CC0] =	vst v63  }
0x55: {  	s16 =	rddreg [dreg:$0x9]  }
0x56: {  	[tilespmem:s14], [sflag:$0x10] =	stream.linear.gather [hbm4b:s16+s1], $0x80, $0x38;
	[tilespmem:$0x14CC0] =	vst v63  }
0x57: {  	_ =	swait.ge [sflag:s20], $0x80  }
0x58: {  	[sflag:s20] =	ssyncset.done $0x0  }
0x59: {  	s22 =	simm.s32 $0xB;
	s19 =	rddreg [dreg:$0x1b];
	[sflag:s20] =	ssyncadd.s32 $0xFFFFFF80  }
0x5a: {  	[tilespmem:s17], [sflag:$0xE] =	stream.linear.gather [spmem:s19], $0x4000, $0x38;
	[tilespmem:$0x14CC0] =	vst v63  }
0x5b: {  	_ =	swait.ge [sflag:s22], $0x4000  }
0x5c: {  	[sflag:s22] =	ssyncset.done $0x0  }
0x5d: {  	s23 =	simm.s32 $0xC;
	[sflag:s22] =	ssyncadd.s32 $0xFFFFC000  }
0x5e: {  	[tilespmem:s7], [sflag:$0x1] =	stream.indirect.gather.add.f32 [hbm:s0], $0x80, s5, s18, $0xb8;
	[tilespmem:$0x14CC0] =	vst v63  }
0x5f: {  	_ =	swait.ge [sflag:s23], $0x4000  }
0x60: {  	[sflag:s23] =	ssyncset.done $0x0  }
0x61: {  	s25 =	simm.s32 $0xD;
	[sflag:s23] =	ssyncadd.s32 $0xFFFFC000  }
0x62: {  	[tilespmem:s12], [sflag:$0x2] =	stream.indirect.gather.add.f32 [hbm:s0], $0x80, s10, s18, $0xb8;
	[tilespmem:$0x14CC0] =	vst v63  }
0x63: {  	_ =	swait.ge [sflag:s25], $0x4000  }
0x64: {  	s10 =	rddreg [dreg:$0x18]  }
0x65: {  	s15 =	rddreg [dreg:$0x16]  }
0x66: {  	s5 =	rddreg [dreg:$0x17]  }
0x67: {  	s2 =	rddreg [dreg:$0x15]  }
0x68: {  	s4 =	rddreg [dreg:$0x13]  }
0x69: {  	s6 =	rddreg [dreg:$0x10]  }
0x6a: {  	s7 =	rddreg [dreg:$0x12]  }
0x6b: {  	s13 =	rddreg [dreg:$0xf]  }
0x6c: {  	[sflag:s25] =	ssyncset.done $0x0;
	s16 =	rddreg [dreg:$0xd]  }
0x6d: {  	s9 =	rddreg [dreg:$0x1d];
	[sflag:s25] =	ssyncadd.s32 $0xFFFFC000  }
0x6e: {  	[tilespmem:s24], [sflag:$0x3] =	stream.indirect.gather.add.f32 [hbm:s0], $0x80, s8, s18, $0xb8;
	[tilespmem:$0x14CC0] =	vst v63  }
0x6f: {  	s11 =	simm.s32 $0x0;
	s8 =	rddreg [dreg:$0xe]  }
.LBB2_2:
0x70: {  	s12 =	simm.s32 $0x1  }
0x71: {  	s25 =	simm.s32 $0xCC0;
	p1 =	seq.s32 s11, $0x0;
	_ =	swait.ge [sflag:s12], $0x4000  }
0x72: {  	s19 =	simm.s32 @!p1 $0xA;
	[sflag:s12] =	ssyncset.done $0x0;
	s23 =	rddreg [dreg:$0x11]  }
0x73: {  	[sflag:s12] =	ssyncadd.s32 $0xFFFFC000;
	s23 =	sadd.s32 s11, s23;
	s12 =	smulhi.u32 $0x51EB851F, s15  }
0x74: {  	[hbm4b:s23+s1] =	stream.linear.scatter [tilespmem:s25], [sflag:$0x6], $0x4000, $0x38;
	[tilespmem:$0x14CC0] =	vst v63  }
0x75: {  	_ =	swait.ge @!p1 [sflag:s19], $0x4000  }
0x76: {  	s23 =	sshrl.u32 s12, $0x6;
	[sflag:s19] =	ssyncset.done @!p1 $0x0  }
0x77: {  	s25 =	simm.s32 $0xC40;
	s23 =	smul.u32 $0xFFFE7000, s23;
	[sflag:s19] =	ssyncadd.s32 @!p1 $0xFFFFC000  }
0x78: {  	[tilespmem:s25], [sflag:$0x10] =	stream.linear.gather [hbm4b:s10+s1], $0x80, $0x38;
	[tilespmem:$0x14CC0] =	vst v63  }
0x79: {  	s22 =	sshra.s32 s23, $0x2;
	_ =	swait.ge [sflag:s20], $0x80  }
0x7a: {  	s19 =	sadd.s32 s22, s9;
	[sflag:s20] =	ssyncset.done $0x0  }
0x7b: {  	s23 =	simm.s32 $0xE;
	s19 =	sadd.s32 $0xFFFF0000, s19;
	[sflag:s20] =	ssyncadd.s32 $0xFFFFFF80  }
0x7c: {  	[tilespmem:s31], [sflag:$0xF] =	stream.linear.gather [spmem:s19], $0x4000, $0x38;
	[tilespmem:$0x14CC0] =	vst v63  }
0x7d: {  	_ =	swait.ge [sflag:s23], $0x4000  }
0x7e: {  	[sflag:s23] =	ssyncset.done $0x0  }
0x7f: {  	s19 =	simm.s32 $0x2;
	[sflag:s23] =	ssyncadd.s32 $0xFFFFC000  }
0x80: {  	[tilespmem:s17], [sflag:$0x4] =	stream.indirect.gather.add.f32 [hbm:s0], $0x80, s14, s18, $0xb8;
	[tilespmem:$0x14CC0] =	vst v63  }
0x81: {  	s22 =	smulhi.u32 $0x51EB851F, s2;
	_ =	swait.ge [sflag:s19], $0x4000  }
0x82: {  	s14 =	simm.s32 $0x4CC0;
	[sflag:s19] =	ssyncset.done $0x0;
	s23 =	rddreg [dreg:$0xc]  }
0x83: {  	s17 =	simm.s32 $0x6;
	[sflag:s19] =	ssyncadd.s32 $0xFFFFC000;
	s12 =	sadd.s32 s11, s23  }
0x84: {  	[hbm4b:s12+s1] =	stream.linear.scatter [tilespmem:s14], [sflag:$0x7], $0x4000, $0x38;
	[tilespmem:$0x14CC0] =	vst v63  }
0x85: {  	p1 =	seq.s32 s11, $0x61800;
	s19 =	sshrl.u32 s22, $0x6;
	_ =	swait.ge [sflag:s17], $0x4000  }
0x86: {  	s23 =	simm.s32 @!p1 $0x0;
	s22 =	simm.s32 @!p1 $0x10;
	[sflag:s17] =	ssyncset.done $0x0  }
0x87: {  	s19 =	smul.u32 $0xFFFE7000, s19;
	s12 =	simm.s32 @!p1 $0xA40;
	[sflag:s17] =	ssyncadd.s32 $0xFFFFC000  }
0x88: {  	[tilespmem:s12], [sflag:$0x10] =	stream.linear.gather @!p1 [hbm4b:s5+s23], $0x80, $0x38;
	[tilespmem:$0x14CC0] =	vst v63  }
0x89: {  	s19 =	sshra.s32 @!p1 s19, $0x2;
	_ =	swait.ge @!p1 [sflag:s22], $0x80  }
0x8a: {  	s19 =	sadd.s32 @!p1 s19, s9;
	[sflag:s22] =	ssyncset.done @!p1 $0x0  }
0x8b: {  	s17 =	simm.s32 @!p1 $0xCC0;
	s19 =	sadd.s32 @!p1 $0xFFFF4000, s19;
	[sflag:s22] =	ssyncadd.s32 @!p1 $0xFFFFFF80  }
0x8c: {  	[tilespmem:s17], [sflag:$0xB] =	stream.linear.gather @!p1 [spmem:s19], $0x4000, $0x38;
	[tilespmem:$0x14CC0] =	vst v63  }
0x8d: {  	s19 =	simm.s32 $0xF  }
0x8e: {  	_ =	swait.ge [sflag:s19], $0x4000  }
0x8f: {  	[sflag:s19] =	ssyncset.done $0x0  }
0x90: {  	[sflag:s19] =	ssyncadd.s32 $0xFFFFC000  }
0x91: {  	[tilespmem:s31], [sflag:$0x5] =	stream.indirect.gather.add.f32 [hbm:s0], $0x80, s25, s18, $0xb8;
	[tilespmem:$0x14CC0] =	vst v63  }
0x92: {  	s25 =	simm.s32 $0x3  }
0x93: {  	_ =	swait.ge [sflag:s25], $0x4000  }
0x94: {  	[sflag:s25] =	ssyncset.done $0x0;
	s18 =	rddreg [dreg:$0xb]  }
0x95: {  	[sflag:s25] =	ssyncadd.s32 $0xFFFFC000;
	s14 =	sadd.s32 s11, s18  }
0x96: {  	[hbm4b:s14+s1] =	stream.linear.scatter [tilespmem:s24], [sflag:$0x8], $0x4000, $0x38;
	[tilespmem:$0x14CC0] =	vst v63  }
0x97: {  	s19 =	smulhi.u32 $0x51EB851F, s6;
	s24 =	simm.s32 $0x7  }
0x98: {  	_ =	swait.ge [sflag:s24], $0x4000  }
0x99: {  	s19 =	sshrl.u32 s19, $0x6;
	[sflag:s24] =	ssyncset.done $0x0  }
0x9a: {  	s14 =	smul.u32 $0xFFFE7000, s19;
	s19 =	simm.s32 @!p1 $0xAC0;
	[sflag:s24] =	ssyncadd.s32 $0xFFFFC000  }
0x9b: {  	[tilespmem:s19], [sflag:$0x10] =	stream.linear.gather @!p1 [hbm4b:s4+s23], $0x80, $0x38;
	[tilespmem:$0x14CC0] =	vst v63  }
0x9c: {  	s14 =	sshra.s32 @!p1 s14, $0x2;
	_ =	swait.ge @!p1 [sflag:s22], $0x80  }
0x9d: {  	s14 =	sadd.s32 @!p1 s14, s9;
	[sflag:s22] =	ssyncset.done @!p1 $0x0  }
0x9e: {  	s24 =	simm.s32 @!p1 $0x4CC0;
	s14 =	sadd.s32 @!p1 $0xFFFF8000, s14;
	[sflag:s22] =	ssyncadd.s32 @!p1 $0xFFFFFF80  }
0x9f: {  	[tilespmem:s24], [sflag:$0xC] =	stream.linear.gather @!p1 [spmem:s14], $0x4000, $0x38;
	[tilespmem:$0x14CC0] =	vst v63  }
0xa0: {  	s14 =	simm.s32 @!p1 $0xB  }
0xa1: {  	_ =	swait.ge @!p1 [sflag:s14], $0x4000  }
0xa2: {  	[sflag:s14] =	ssyncset.done @!p1 $0x0  }
0xa3: {  	[sflag:s14] =	ssyncadd.s32 @!p1 $0xFFFFC000;
	s14 =	simm.s32 @!p1 $0x80  }
0xa4: {  	[tilespmem:s17], [sflag:$0x1] =	stream.indirect.gather.add.f32 @!p1 [hbm:s0], $0x80, s12, s14, $0xb8;
	[tilespmem:$0x14CC0] =	vst v63  }
0xa5: {  	_ =	swait.ge [sflag:s21], $0x4000  }
0xa6: {  	[sflag:s21] =	ssyncset.done $0x0;
	s17 =	rddreg [dreg:$0xa]  }
0xa7: {  	s12 =	smulhi.u32 $0x51EB851F, s8;
	[sflag:s21] =	ssyncadd.s32 $0xFFFFC000;
	s17 =	sadd.s32 s11, s17  }
0xa8: {  	[hbm4b:s17+s1] =	stream.linear.scatter [tilespmem:s26], [sflag:$0x9], $0x4000, $0x38;
	[tilespmem:$0x14CC0] =	vst v63  }
0xa9: {  	_ =	swait.ge [sflag:s30], $0x4000  }
0xaa: {  	s12 =	sshrl.u32 s12, $0x6;
	[sflag:s30] =	ssyncset.done $0x0  }
0xab: {  	s12 =	smul.u32 $0xFFFE7000, s12;
	s17 =	simm.s32 @!p1 $0xB40;
	[sflag:s30] =	ssyncadd.s32 $0xFFFFC000  }
0xac: {  	[tilespmem:s17], [sflag:$0x10] =	stream.linear.gather @!p1 [hbm4b:s7+s23], $0x80, $0x38;
	[tilespmem:$0x14CC0] =	vst v63  }
0xad: {  	s12 =	sshra.s32 @!p1 s12, $0x2;
	_ =	swait.ge @!p1 [sflag:s22], $0x80  }
0xae: {  	s12 =	sadd.s32 @!p1 s12, s9;
	[sflag:s22] =	ssyncset.done @!p1 $0x0  }
0xaf: {  	s12 =	sadd.s32 @!p1 $0xFFFFC000, s12;
	s17 =	simm.s32 @!p1 $0x8CC0;
	[sflag:s22] =	ssyncadd.s32 @!p1 $0xFFFFFF80  }
0xb0: {  	[tilespmem:s17], [sflag:$0xD] =	stream.linear.gather @!p1 [spmem:s12], $0x4000, $0x38;
	[tilespmem:$0x14CC0] =	vst v63  }
0xb1: {  	s12 =	simm.s32 @!p1 $0xC  }
0xb2: {  	_ =	swait.ge @!p1 [sflag:s12], $0x4000  }
0xb3: {  	[sflag:s12] =	ssyncset.done @!p1 $0x0  }
0xb4: {  	[sflag:s12] =	ssyncadd.s32 @!p1 $0xFFFFC000  }
0xb5: {  	[tilespmem:s24], [sflag:$0x2] =	stream.indirect.gather.add.f32 @!p1 [hbm:s0], $0x80, s19, s14, $0xb8;
	[tilespmem:$0x14CC0] =	vst v63  }
0xb6: {  	_ =	swait.ge [sflag:s3], $0x4000  }
0xb7: {  	[sflag:s3] =	ssyncset.done $0x0;
	s24 =	rddreg [dreg:$0x14]  }
.Ltmp2:
0xb8: {  	[sflag:s3] =	ssyncadd.s32 $0xFFFFC000;
	s12 =	sadd.s32 s11, s24;
	(pc) =	sbr.rel @p1 .LBB2_4-.Ltmp2, $4  }
0xb9: {  	[hbm4b:s12+s1] =	stream.linear.scatter [tilespmem:s31], [sflag:$0xA], $0x4000, $0x38;
	[tilespmem:$0x14CC0] =	vst v63  }
0xba: {  	_ =	swait.ge [sflag:s29], $0x4000  }
0xbb: {  	[sflag:s29] =	ssyncset.done $0x0  }
0xbc: {  	s25 =	simm.s32 $0xBC0;
	s18 =	simm.s32 $0x8CC0;
	[sflag:s29] =	ssyncadd.s32 $0xFFFFC000  }
0xbd: {  	s12 =	smulhi.u32 $0x51EB851F, s16  }
0xbe: {  	[tilespmem:s25], [sflag:$0x10] =	stream.linear.gather [hbm4b:s13+s1], $0x80, $0x38;
	[tilespmem:$0x14CC0] =	vst v63  }
0xbf: {  	s24 =	simm.s32 $0xD;
	s25 =	simm.s32 $0xB40  }
0xc0: {  	s11 =	sadd.s32 $0x2800, s11;
	s16 =	sadd.s32 $0x280, s16;
	s12 =	sshrl.u32 s12, $0x6  }
0xc1: {  	s13 =	sadd.s32 $0x50, s13;
	s8 =	sadd.s32 $0x280, s8;
	s12 =	smul.u32 $0xFFFE7000, s12  }
0xc2: {  	s7 =	sadd.s32 $0x50, s7;
	s6 =	sadd.s32 $0x280, s6;
	_ =	swait.ge [sflag:s20], $0x80  }
0xc3: {  	s4 =	sadd.s32 $0x50, s4;
	[sflag:s20] =	ssyncset.done $0x0;
	s12 =	sshra.s32 s12, $0x2  }
0xc4: {  	s2 =	sadd.s32 $0x280, s2;
	[sflag:s20] =	ssyncadd.s32 $0xFFFFFF80;
	s12 =	sadd.s32 s12, s9  }
0xc5: {  	[tilespmem:s26], [sflag:$0xE] =	stream.linear.gather [spmem:s12], $0x4000, $0x38;
	[tilespmem:$0x14CC0] =	vst v63  }
.Ltmp3:
0xc6: {  	s5 =	sadd.s32 $0x50, s5;
	_ =	swait.ge [sflag:s24], $0x4000;
	(pc) =	sbr.rel .LBB2_2-.Ltmp3, $4  }
0xc7: {  	s15 =	sadd.s32 $0x280, s15;
	s10 =	sadd.s32 $0x50, s10;
	[sflag:s24] =	ssyncset.done $0x0  }
0xc8: {  	s14 =	simm.s32 $0xBC0;
	s17 =	simm.s32 $0xCCC0;
	[sflag:s24] =	ssyncadd.s32 $0xFFFFC000  }
0xc9: {  	[tilespmem:s18], [sflag:$0x3] =	stream.indirect.gather.add.f32 [hbm:s0], $0x80, s25, s28, $0xb8;
	[tilespmem:$0x14CC0] =	vst v63  }
0xca: {  	s9 =	sadd.s32 $0x14000, s9;
	s24 =	simm.s32 $0x8CC0;
	s18 =	simm.s32 $0x80  }
.LBB2_5:
0xcb: {  	_ =	sfence.sel $0x180000  }
0xcc: {  	[bflag:$0x0] =	sbarrier.arrive $0xFFFF  }
0xcd: {  	_ =	strace $0x90000047  }
0xce: {  	[bflag:$0x2] =	sbarrier.arrive $0xFFFF  }
0xcf: {  	s0 =	rddreg [dreg:$0x5]  }
0xd0: {  	s0 =	sadd.s32 @!p0 $0x100000, s0  }
0xd1: {  	[sflag:s0] =	ssyncadd.tile.s32 @!p0 $0x1;
	_ =	shalt  }
.Lfunc_end2:
_tile_overlayer_lowered:
.L_overlay_start_2:
0xd2: {  	(tag) =	ssettag $0x2  }
0xd3: {  	s0 =	rddreg [dreg:$0x0];
	s2 =	stileid.u32  }
0xd4: {  	s1 =	rddreg [dreg:$0x1];
	p0 =	sne.s32 s2, $0x0  }
0xd5: {  	s3 =	rddreg [dreg:$0x2];
	[bflag:$0x3] =	sbarrier.arrive $0xFFFF;
	s2 =	simm.s32 @!p0 $0x1C10  }
0xd6: {  	[timem:s3], [sflag:s2] =	dma.local @!p0 [hbm:s0], s1  }
0xd7: {  	s0 =	simm.s32 @!p0 $0x10  }
0xd8: {  	_ =	swait.ge @!p0 [sflag:s0], s1  }
0xd9: {  	s1 =	ssub.s32 @!p0 $0x0, s1;
	[sflag:s0] =	ssyncset.done @!p0 $0x0  }
0xda: {  	[sflag:s0] =	ssyncadd.s32 @!p0 s1  }
0xdb: {  	[bflag:$0x3] =	sbarrier.arrive $0xFFFF  }
0xdc: {  	_ =	shalt  }

</sc_bundles>
